<compile_context>
chip_gen: v7x
topology: tpu7x:2x2x1
jax: 0.10.2.dev20260603
libtpu: 0.0.44.dev20260713+nightly
codegen_flags: <defaults>
</compile_context>

<pallas_src>
import functools

import jax
import jax.numpy as jnp
from jax.experimental import pallas as pl
from jax.experimental.pallas import tpu as pltpu
from jax.experimental.pallas import tpu_sc as plsc

_B, _L, _D, _V, _H, _FF, _NL, _K = 2, 2048, 768, 50257, 12, 2048, 6, 4096
_PAD = 50256
_HD = _D // _H
_N = _B * _L

_F32 = jnp.float32
_BF16 = jnp.bfloat16


def _dot_t(x, w):
    return jax.lax.dot_general(
        x.astype(_BF16), w.astype(_BF16), (((1,), (1,)), ((), ())),
        preferred_element_type=_F32,
    )


def _gelu_exact(x):
    return 0.5 * x * (1.0 + jax.lax.erf(x * (1.0 / jnp.sqrt(2.0).astype(_F32))))



_GW = 128
_SPLIT = 2


def _sc_gather_rows(table, ids):
    n = ids.shape[0]
    rows, cols = table.shape
    c2 = cols // _SPLIT
    t2 = table.reshape(rows * _SPLIT, c2)
    ids2 = (
        ids[:, None] * _SPLIT + jnp.arange(_SPLIT, dtype=jnp.int32)[None, :]
    ).reshape(1, n * _SPLIT)
    mesh = plsc.VectorSubcoreMesh(core_axis_name="core", subcore_axis_name="subcore")

    @functools.partial(
        pl.kernel,
        out_type=jax.ShapeDtypeStruct((n * _SPLIT, c2), table.dtype),
        mesh=mesh,
    )
    def gather_kernel(x_hbm, i_hbm, o_hbm):
        def body(i_vmem, o_vmem):
            pltpu.sync_copy(x_hbm.at[i_vmem.at[0]], o_vmem)

        pltpu.emit_pipeline(
            body,
            grid=(n * _SPLIT // _GW,),
            in_specs=[pl.BlockSpec((1, _GW), lambda i: (0, i))],
            out_specs=[pl.BlockSpec((_GW, c2), lambda i: (i, 0))],
            core_axis_name=("core", "subcore"),
            dimension_semantics=(pltpu.PARALLEL,),
        )(i_hbm, o_hbm)

    return gather_kernel(t2, ids2).reshape(n, cols)



_RB = 512


def _dec1_kernel(zq_ref, ze_ref, w_ref, b_ref, h_ref, vq_ref):
    i = pl.program_id(0)
    y = _dot_t(zq_ref[...], w_ref[...]) + b_ref[...]
    h_ref[...] = _gelu_exact(y)
    d = zq_ref[...] - ze_ref[...]
    part = jnp.sum(d * d)

    @pl.when(i == 0)
    def _():
        vq_ref[...] = jnp.zeros_like(vq_ref)

    vq_ref[...] += part


def _decoder_hidden(z_q, z_e, w, b):
    return pl.pallas_call(
        _dec1_kernel,
        grid=(_N // _RB,),
        in_specs=[
            pl.BlockSpec((_RB, _D), lambda i: (i, 0)),
            pl.BlockSpec((_RB, _D), lambda i: (i, 0)),
            pl.BlockSpec((_D, _D), lambda i: (0, 0)),
            pl.BlockSpec((1, _D), lambda i: (0, 0)),
        ],
        out_specs=[
            pl.BlockSpec((_RB, _D), lambda i: (i, 0)),
            pl.BlockSpec((1, 1), lambda i: (0, 0)),
        ],
        out_shape=[
            jax.ShapeDtypeStruct((_N, _D), _F32),
            jax.ShapeDtypeStruct((1, 1), _F32),
        ],
    )(z_q, z_e, w, b.reshape(1, _D))


_VB = 512
_VSTEPS = (_V + _VB - 1) // _VB


def _ce_kernel(h_ref, w_ref, b_ref, tgt_ref, nll_ref, m_ref, s_ref, t_ref):
    i = pl.program_id(0)

    @pl.when(i == 0)
    def _():
        m_ref[...] = jnp.full_like(m_ref, -jnp.inf)
        s_ref[...] = jnp.zeros_like(s_ref)
        t_ref[...] = jnp.zeros_like(t_ref)

    logits = _dot_t(h_ref[...], w_ref[...]) + b_ref[...]
    col = i * _VB + jax.lax.broadcasted_iota(jnp.int32, (1, _VB), 1)
    logits = jnp.where(col < _V, logits, -jnp.inf)
    m_old = m_ref[...]
    m_new = jnp.maximum(m_old, jnp.max(logits, axis=1, keepdims=True))
    s_ref[...] = s_ref[...] * jnp.exp(m_old - m_new) + jnp.sum(
        jnp.exp(logits - m_new), axis=1, keepdims=True
    )
    hit = col == tgt_ref[...]
    t_ref[...] += jnp.sum(jnp.where(hit, logits, 0.0), axis=1, keepdims=True)
    m_ref[...] = m_new

    @pl.when(i == _VSTEPS - 1)
    def _():
        nll_ref[...] = -(t_ref[...] - m_ref[...] - jnp.log(s_ref[...]))


def _ce_nll(hdec, w2, b2, tgt):
    return pl.pallas_call(
        _ce_kernel,
        grid=(_VSTEPS,),
        in_specs=[
            pl.BlockSpec((_N, _D), lambda i: (0, 0)),
            pl.BlockSpec((_VB, _D), lambda i: (i, 0)),
            pl.BlockSpec((1, _VB), lambda i: (0, i)),
            pl.BlockSpec((_N, 1), lambda i: (0, 0)),
        ],
        out_specs=pl.BlockSpec((_N, 1), lambda i: (0, 0)),
        out_shape=jax.ShapeDtypeStruct((_N, 1), _F32),
        scratch_shapes=[
            pltpu.VMEM((_N, 1), _F32),
            pltpu.VMEM((_N, 1), _F32),
            pltpu.VMEM((_N, 1), _F32),
        ],
    )(hdec, w2, b2.reshape(1, _V), tgt.reshape(_N, 1))




def _layer_norm(x, w, b):
    m = x.mean(-1, keepdims=True)
    v = ((x - m) ** 2).mean(-1, keepdims=True)
    return (x - m) / jnp.sqrt(v + 1e-5) * w + b


def _encoder_ze(params, x):
    for i in range(_NL):
        qkv = x @ params["in_proj_w"][i].T + params["in_proj_b"][i]
        q, k, v = jnp.split(qkv, 3, axis=-1)
        q = q.reshape(_B, _L, _H, _HD).transpose(0, 2, 1, 3)
        k = k.reshape(_B, _L, _H, _HD).transpose(0, 2, 1, 3)
        v = v.reshape(_B, _L, _H, _HD).transpose(0, 2, 1, 3)
        scores = (q @ k.transpose(0, 1, 3, 2)) / jnp.sqrt(float(_HD))
        attn = jax.nn.softmax(scores, axis=-1)
        o = (attn @ v).transpose(0, 2, 1, 3).reshape(_B, _L, _D)
        o = o @ params["out_w"][i].T + params["out_b"][i]
        x = _layer_norm(x + o, params["ln1_w"][i], params["ln1_b"][i])
        h = jax.nn.relu(x @ params["ffn_w1"][i].T + params["ffn_b1"][i])
        h = h @ params["ffn_w2"][i].T + params["ffn_b2"][i]
        x = _layer_norm(x + h, params["ln2_w"][i], params["ln2_b"][i])
    return x @ params["to_latent_w"].T + params["to_latent_b"]


def kernel(params, input_ids, attn_mask):
    del attn_mask
    p = params
    ids = input_ids.reshape(_N).astype(jnp.int32)

    x = _sc_gather_rows(p["embed"], ids).reshape(_B, _L, _D)
    z_e = _encoder_ze(p, x)

    flat = z_e.reshape(_N, _D)
    cb = p["codebook"]
    dist = (flat**2).sum(1, keepdims=True) - 2.0 * flat @ cb.T + (cb**2).sum(1)
    idx = jnp.argmin(dist, axis=1).astype(jnp.int32)

    z_q = _sc_gather_rows(cb, idx)
    hdec, vq_sum = _decoder_hidden(z_q, flat, p["dec_w1"], p["dec_b1"])
    nll = _ce_nll(hdec, p["dec_w2"], p["dec_b2"], ids)[:, 0]

    vq_loss = 1.25 * (vq_sum[0, 0] / (_N * _D))
    valid = (ids != _PAD).astype(_F32)
    recon = jnp.sum(nll * valid) / jnp.maximum(jnp.sum(valid), 1.0)
    return idx.reshape(_B, _L), vq_loss + recon

# --- scband reference (transcript-rebuilt; emitter-appended) ---
"""Pipeline reference for scband-vqvaestoryboard-28166395528105 (READ-ONLY COPY).

The authoritative reference and input builder live on the scoring server;
editing this copy changes nothing except your own understanding.
"""

import jax, jax.numpy as jnp
import numpy as np

B, L, D, V, H, FF, NL, K = 2, 2048, 768, 50257, 12, 2048, 6, 4096
PAD = 50256
HD = D // H


def setup_inputs(seed: int = 0):
    key = jax.random.key(seed)
    ks = jax.random.split(key, 24)
    s = 0.02
    params = {
        "embed": jax.random.normal(ks[0], (V, D)) * s,
        "in_proj_w": jax.random.normal(ks[1], (NL, 3 * D, D)) * s,
        "in_proj_b": jnp.zeros((NL, 3 * D)),
        "out_w": jax.random.normal(ks[2], (NL, D, D)) * s,
        "out_b": jnp.zeros((NL, D)),
        "ln1_w": jnp.ones((NL, D)),
        "ln1_b": jnp.zeros((NL, D)),
        "ln2_w": jnp.ones((NL, D)),
        "ln2_b": jnp.zeros((NL, D)),
        "ffn_w1": jax.random.normal(ks[3], (NL, FF, D)) * s,
        "ffn_b1": jnp.zeros((NL, FF)),
        "ffn_w2": jax.random.normal(ks[4], (NL, D, FF)) * s,
        "ffn_b2": jnp.zeros((NL, D)),
        "to_latent_w": jax.random.normal(ks[5], (D, D)) * s,
        "to_latent_b": jnp.zeros((D,)),
        "codebook": jax.random.normal(ks[6], (K, D)),
        "dec_w1": jax.random.normal(ks[7], (D, D)) * s,
        "dec_b1": jnp.zeros((D,)),
        "dec_w2": jax.random.normal(ks[8], (V, D)) * s,
        "dec_b2": jnp.zeros((V,)),
    }
    input_ids = jax.random.randint(ks[9], (B, L), 0, V)
    attn_mask = jnp.ones((B, L), dtype=bool)
    return {"params": params, "input_ids": input_ids, "attn_mask": attn_mask}


def _layer_norm(x, w, b):
    m = x.mean(-1, keepdims=True)
    v = ((x - m) ** 2).mean(-1, keepdims=True)
    return (x - m) / jnp.sqrt(v + 1e-5) * w + b


def _forward(params, input_ids, attn_mask):
    # embedding lookup (gather)
    x = params["embed"][input_ids]
    key_mask = attn_mask  # True = valid token (torch uses ~attn_mask as padding mask)
    for i in range(NL):
        # post-norm TransformerEncoderLayer, eval mode (dropout=0)
        qkv = x @ params["in_proj_w"][i].T + params["in_proj_b"][i]
        q, k, v = jnp.split(qkv, 3, axis=-1)
        q = q.reshape(B, L, H, HD).transpose(0, 2, 1, 3)
        k = k.reshape(B, L, H, HD).transpose(0, 2, 1, 3)
        v = v.reshape(B, L, H, HD).transpose(0, 2, 1, 3)
        scores = (q @ k.transpose(0, 1, 3, 2)) / jnp.sqrt(float(HD))
        scores = jnp.where(key_mask[:, None, None, :], scores, -1e30)
        attn = jax.nn.softmax(scores, axis=-1)
        o = (attn @ v).transpose(0, 2, 1, 3).reshape(B, L, D)
        o = o @ params["out_w"][i].T + params["out_b"][i]
        x = _layer_norm(x + o, params["ln1_w"][i], params["ln1_b"][i])
        h = jax.nn.relu(x @ params["ffn_w1"][i].T + params["ffn_b1"][i])
        h = h @ params["ffn_w2"][i].T + params["ffn_b2"][i]
        x = _layer_norm(x + h, params["ln2_w"][i], params["ln2_b"][i])
    z_e = x @ params["to_latent_w"].T + params["to_latent_b"]
    # Vector quantization (eval mode: no EMA update)
    flat = z_e.reshape(-1, D)
    cb = params["codebook"]
    dist = (flat ** 2).sum(1, keepdims=True) - 2.0 * flat @ cb.T + (cb ** 2).sum(1)
    idx = jnp.argmin(dist, axis=1)
    z_q = cb[idx].reshape(B, L, D)
    sg = jax.lax.stop_gradient
    vq_loss = jnp.mean((sg(z_q) - z_e) ** 2) + 0.25 * jnp.mean((z_e - sg(z_q)) ** 2)
    z_q = z_e + sg(z_q - z_e)
    # decoder
    hdec = jax.nn.gelu(z_q @ params["dec_w1"].T + params["dec_b1"], approximate=False)
    logits = hdec @ params["dec_w2"].T + params["dec_b2"]
    # cross entropy with ignore_index=PAD, mean over non-pad tokens
    logp = jax.nn.log_softmax(logits.reshape(-1, V), axis=-1)
    tgt = input_ids.reshape(-1)
    nll = -jnp.take_along_axis(logp, tgt[:, None], axis=1)[:, 0]
    valid = (tgt != PAD).astype(logp.dtype)
    recon = jnp.sum(nll * valid) / jnp.maximum(jnp.sum(valid), 1.0)
    return idx.reshape(B, L), vq_loss + recon


def reference(params, input_ids, attn_mask):
    return _forward(params, input_ids, attn_mask)

if __name__ == "__main__":
    import jax
    _d = setup_inputs()
    print(jax.jit(kernel)(*tuple(_d.values())))

</pallas_src>

<mosaic_0001>
#map = affine_map<(d0, d1) -> (0, 0)>
module attributes {stable_mosaic.version = 14 : i64} {
  func.func @gather_kernel(%arg0: i32, %arg1: i32, %arg2: memref<8192x384xf32, #tpu.memory_space<hbm>>, %arg3: memref<1x8192xi32, #tpu.memory_space<hbm>>, %arg4: memref<8192x384xf32, #tpu.memory_space<hbm>>) attributes {dimension_semantics = [#tpu.dimension_semantics<core_parallel>, #tpu.dimension_semantics<subcore_parallel>], iteration_bounds = array<i64: 2, 16>, scalar_prefetch = 0 : i64, scratch_operands = 0 : i64, tpu.core_type = #tpu.core_type<sc_vector_subcore>, window_params = [{transform_indices = #map}, {transform_indices = #map}, {transform_indices = #map}]} {
    %mul3A = arith.constant 1 : i32
    %mul3A_0 = arith.muli %arg1, %mul3A : i32
    %add3A = arith.constant 0 : i32
    %add3A_1 = arith.addi %add3A, %mul3A_0 : i32
    %mul3A_2 = arith.constant 16 : i32
    %mul3A_3 = arith.muli %arg0, %mul3A_2 : i32
    %add3A_4 = arith.addi %add3A_1, %mul3A_3 : i32
    %mul3A_5 = arith.constant 2 : i32
    %mul3A_6 = arith.muli %add3A_4, %mul3A_5 : i32
    "tpu.region"() ({
      %run_scoped3A = memref.alloca() : memref<2x1x128xi32, #tpu.memory_space<vmem>>
      %run_scoped3A_7 = tpu.sem_alloc : memref<2x!tpu.dma_semaphore, #tpu.memory_space<semaphore_mem>>
      %run_scoped3A_8 = memref.alloca() : memref<2x128x384xf32, #tpu.memory_space<vmem>>
      %run_scoped3A_9 = tpu.sem_alloc : memref<2x!tpu.dma_semaphore, #tpu.memory_space<semaphore_mem>>
      %add3A_10 = arith.constant 0 : i32
      %add3A_11 = arith.addi %add3A_10, %mul3A_6 : i32
      %select_n3A = arith.constant true
      %select_n3A_12 = arith.constant 0 : i32
      %select_n3A_13 = arith.constant -1 : i32
      %select_n3A_14 = arith.select %select_n3A, %select_n3A_13, %select_n3A_12 : i32
      %eq3A = arith.constant -1 : i32
      %eq3A_15 = arith.cmpi eq, %select_n3A_14, %eq3A : i32
      %select_n3A_16 = arith.constant 1 : i32
      %select_n3A_17 = arith.select %eq3A_15, %select_n3A_16, %select_n3A_14 : i32
      %add3A_18 = arith.addi %select_n3A_17, %mul3A_6 : i32
      %select_n3A_19 = arith.constant true
      %select_n3A_20 = arith.constant 0 : i32
      %select_n3A_21 = arith.constant 1 : i32
      %select_n3A_22 = arith.select %select_n3A_19, %select_n3A_21, %select_n3A_20 : i32
      %eq3A_23 = arith.constant 2 : i32
      %eq3A_24 = arith.cmpi eq, %select_n3A_22, %eq3A_23 : i32
      %select_n3A_25 = arith.constant 0 : i32
      %select_n3A_26 = arith.select %eq3A_24, %select_n3A_25, %select_n3A_22 : i32
      %add3A_27 = arith.addi %select_n3A_26, %mul3A_6 : i32
      %add3A_28 = arith.constant 1 : i32
      %add3A_29 = arith.addi %select_n3A_26, %add3A_28 : i32
      %select_n3A_30 = arith.constant true
      %select_n3A_31 = arith.select %select_n3A_30, %add3A_29, %select_n3A_26 : i32
      %eq3A_32 = arith.constant 2 : i32
      %eq3A_33 = arith.cmpi eq, %select_n3A_31, %eq3A_32 : i32
      %select_n3A_34 = arith.constant 0 : i32
      %select_n3A_35 = arith.select %eq3A_33, %select_n3A_34, %select_n3A_31 : i32
      %add3A_36 = arith.addi %select_n3A_35, %mul3A_6 : i32
      "tpu.trace_start"() <{level = 10 : i32, message = "ep_initialize_0"}> : () -> ()
      %rem3A = arith.constant 0 : i32
      %rem3A_37 = arith.constant 2 : i32
      %rem3A_38 = arith.remui %rem3A, %rem3A_37 : i32
      %mul3A_39 = arith.constant 128 : i32
      %mul3A_40 = arith.muli %mul3A_39, %add3A_11 : i32
      %dma_start3A = arith.constant 0 : i32
      %dma_start3A_41 = arith.constant 0 : i32
      %dma_start3A_42 = tpu.memref_slice %run_scoped3A[%rem3A_38, %dma_start3A, %dma_start3A_41] : memref<2x1x128xi32, #tpu.memory_space<vmem>> -> memref<1x1x128xi32, #tpu.memory_space<vmem>>
      %dma_start3A_43 = tpu.memref_squeeze %dma_start3A_42 : memref<1x1x128xi32, #tpu.memory_space<vmem>> -> memref<1x128xi32, #tpu.memory_space<vmem>>
      %dma_start3A_44 = arith.constant 0 : i32
      %dma_start3A_45 = tpu.memref_slice %arg3[%dma_start3A_44, %mul3A_40] : memref<1x8192xi32, #tpu.memory_space<hbm>> -> memref<1x128xi32, #tpu.memory_space<hbm>>
      %dma_start3A_46 = tpu.memref_slice %run_scoped3A_7[%rem3A_38] : memref<2x!tpu.dma_semaphore, #tpu.memory_space<semaphore_mem>> -> memref<1x!tpu.dma_semaphore, #tpu.memory_space<semaphore_mem>>
      %dma_start3A_47 = tpu.memref_squeeze %dma_start3A_46 : memref<1x!tpu.dma_semaphore, #tpu.memory_space<semaphore_mem>> -> memref<!tpu.dma_semaphore, #tpu.memory_space<semaphore_mem>>
      %dma_start3A_48 = arith.constant 0 : i32
      %dma_start3A_49 = arith.constant 0 : i32
      %dma_start3A_50 = tpu.memref_slice %run_scoped3A[%rem3A_38, %dma_start3A_48, %dma_start3A_49] : memref<2x1x128xi32, #tpu.memory_space<vmem>> -> memref<1x1x128xi32, #tpu.memory_space<vmem>>
      %dma_start3A_51 = tpu.memref_squeeze %dma_start3A_50 : memref<1x1x128xi32, #tpu.memory_space<vmem>> -> memref<1x128xi32, #tpu.memory_space<vmem>>
      %dma_start3A_52 = arith.constant 0 : i32
      %dma_start3A_53 = tpu.memref_slice %arg3[%dma_start3A_52, %mul3A_40] : memref<1x8192xi32, #tpu.memory_space<hbm>> -> memref<1x128xi32, #tpu.memory_space<hbm>>
      tpu.enqueue_dma source(%dma_start3A_53 : memref<1x128xi32, #tpu.memory_space<hbm>>) target(%dma_start3A_51 : memref<1x128xi32, #tpu.memory_space<vmem>>) target_semaphore(%dma_start3A_47 : memref<!tpu.dma_semaphore, #tpu.memory_space<semaphore_mem>>)
      %add3A_54 = arith.constant 0 : i32
      %add3A_55 = arith.constant 1 : i32
      %add3A_56 = arith.addi %add3A_54, %add3A_55 : i32
      %select_n3A_57 = arith.constant true
      %select_n3A_58 = arith.constant 0 : i32
      %select_n3A_59 = arith.select %select_n3A_57, %add3A_56, %select_n3A_58 : i32
      "tpu.trace_stop"() : () -> ()
      %scan3A = arith.constant 0 : i32
      %scan3A_60 = arith.constant 0 : i32
      %scan3A_61 = arith.constant 0 : i32
      %scan3A_62 = arith.constant 0 : i32
      %scan3A_63 = arith.constant 0 : i32
      %scan3A_64 = arith.constant 2 : i32
      %scan3A_65 = arith.addi %scan3A_63, %scan3A_64 : i32
      %scan3A_66 = arith.constant 1 : i32
      %scan3A_67:5 = scf.for %scan3A_121 = %scan3A_63 to %scan3A_65 step %scan3A_66 iter_args(%scan3A_122 = %select_n3A_59, %scan3A_123 = %scan3A, %scan3A_124 = %scan3A_60, %scan3A_125 = %scan3A_61, %scan3A_126 = %scan3A_62) -> (i32, i32, i32, i32, i32)  : i32 {
        %eq3A_127 = arith.constant 0 : i32
        %eq3A_128 = arith.cmpi eq, %scan3A_121, %eq3A_127 : i32
        %eq3A_129 = arith.constant 1 : i32
        %eq3A_130 = arith.cmpi eq, %scan3A_121, %eq3A_129 : i32
        %add3A_131 = arith.addi %scan3A_126, %mul3A_6 : i32
        %sub3A_132 = arith.constant 1 : i32
        %sub3A_133 = arith.subi %scan3A_126, %sub3A_132 : i32
        %select_n3A_134 = arith.constant true
        %select_n3A_135 = arith.select %select_n3A_134, %sub3A_133, %scan3A_126 : i32
        %eq3A_136 = arith.constant -1 : i32
        %eq3A_137 = arith.cmpi eq, %select_n3A_135, %eq3A_136 : i32
        %select_n3A_138 = arith.constant 1 : i32
        %select_n3A_139 = arith.select %eq3A_137, %select_n3A_138, %select_n3A_135 : i32
        %add3A_140 = arith.addi %select_n3A_139, %mul3A_6 : i32
        %add3A_141 = arith.constant 1 : i32
        %add3A_142 = arith.addi %scan3A_126, %add3A_141 : i32
        %select_n3A_143 = arith.constant true
        %select_n3A_144 = arith.select %select_n3A_143, %add3A_142, %scan3A_126 : i32
        %eq3A_145 = arith.constant 2 : i32
        %eq3A_146 = arith.cmpi eq, %select_n3A_144, %eq3A_145 : i32
        %select_n3A_147 = arith.constant 0 : i32
        %select_n3A_148 = arith.select %eq3A_146, %select_n3A_147, %select_n3A_144 : i32
        %add3A_149 = arith.addi %select_n3A_148, %mul3A_6 : i32
        %add3A_150 = arith.constant 1 : i32
        %add3A_151 = arith.addi %select_n3A_148, %add3A_150 : i32
        %select_n3A_152 = arith.constant true
        %select_n3A_153 = arith.select %select_n3A_152, %add3A_151, %select_n3A_148 : i32
        %eq3A_154 = arith.constant 2 : i32
        %eq3A_155 = arith.cmpi eq, %select_n3A_153, %eq3A_154 : i32
        %select_n3A_156 = arith.constant 0 : i32
        %select_n3A_157 = arith.select %eq3A_155, %select_n3A_156, %select_n3A_153 : i32
        %add3A_158 = arith.addi %select_n3A_157, %mul3A_6 : i32
        %ne3A = arith.cmpi ne, %add3A_131, %add3A_149 : i32
        %or3A = arith.constant false
        %or3A_159 = arith.ori %or3A, %ne3A : i1
        %ge3A = arith.constant 1 : i32
        %ge3A_160 = arith.cmpi sge, %scan3A_121, %ge3A : i32
        %not3A = arith.constant true
        %not3A_161 = arith.xori %ge3A_160, %not3A : i1
        %and3A = arith.andi %or3A_159, %not3A_161 : i1
        %convert_element_type3A = arith.extui %and3A : i1 to i32
        %cond3A = arith.constant 0 : i32
        %cond3A_162 = arith.cmpi ne, %convert_element_type3A, %cond3A : i32
        scf.if %cond3A_162 {
          "tpu.trace_start"() <{level = 10 : i32, message = "ep_copy_in"}> : () -> ()
          %rem3A_264 = arith.constant 2 : i32
          %rem3A_265 = arith.remui %scan3A_122, %rem3A_264 : i32
          %mul3A_266 = arith.constant 128 : i32
          %mul3A_267 = arith.muli %mul3A_266, %add3A_149 : i32
          %dma_start3A_268 = arith.constant 0 : i32
          %dma_start3A_269 = arith.constant 0 : i32
          %dma_start3A_270 = tpu.memref_slice %run_scoped3A[%rem3A_265, %dma_start3A_268, %dma_start3A_269] : memref<2x1x128xi32, #tpu.memory_space<vmem>> -> memref<1x1x128xi32, #tpu.memory_space<vmem>>
          %dma_start3A_271 = tpu.memref_squeeze %dma_start3A_270 : memref<1x1x128xi32, #tpu.memory_space<vmem>> -> memref<1x128xi32, #tpu.memory_space<vmem>>
          %dma_start3A_272 = arith.constant 0 : i32
          %dma_start3A_273 = tpu.memref_slice %arg3[%dma_start3A_272, %mul3A_267] : memref<1x8192xi32, #tpu.memory_space<hbm>> -> memref<1x128xi32, #tpu.memory_space<hbm>>
          %dma_start3A_274 = tpu.memref_slice %run_scoped3A_7[%rem3A_265] : memref<2x!tpu.dma_semaphore, #tpu.memory_space<semaphore_mem>> -> memref<1x!tpu.dma_semaphore, #tpu.memory_space<semaphore_mem>>
          %dma_start3A_275 = tpu.memref_squeeze %dma_start3A_274 : memref<1x!tpu.dma_semaphore, #tpu.memory_space<semaphore_mem>> -> memref<!tpu.dma_semaphore, #tpu.memory_space<semaphore_mem>>
          %dma_start3A_276 = arith.constant 0 : i32
          %dma_start3A_277 = arith.constant 0 : i32
          %dma_start3A_278 = tpu.memref_slice %run_scoped3A[%rem3A_265, %dma_start3A_276, %dma_start3A_277] : memref<2x1x128xi32, #tpu.memory_space<vmem>> -> memref<1x1x128xi32, #tpu.memory_space<vmem>>
          %dma_start3A_279 = tpu.memref_squeeze %dma_start3A_278 : memref<1x1x128xi32, #tpu.memory_space<vmem>> -> memref<1x128xi32, #tpu.memory_space<vmem>>
          %dma_start3A_280 = arith.constant 0 : i32
          %dma_start3A_281 = tpu.memref_slice %arg3[%dma_start3A_280, %mul3A_267] : memref<1x8192xi32, #tpu.memory_space<hbm>> -> memref<1x128xi32, #tpu.memory_space<hbm>>
          tpu.enqueue_dma source(%dma_start3A_281 : memref<1x128xi32, #tpu.memory_space<hbm>>) target(%dma_start3A_279 : memref<1x128xi32, #tpu.memory_space<vmem>>) target_semaphore(%dma_start3A_275 : memref<!tpu.dma_semaphore, #tpu.memory_space<semaphore_mem>>)
          "tpu.trace_stop"() : () -> ()
        } else {
        }
        %and3A_163 = arith.constant true
        %and3A_164 = arith.andi %and3A, %and3A_163 : i1
        %add3A_165 = arith.constant 1 : i32
        %add3A_166 = arith.addi %scan3A_122, %add3A_165 : i32
        %select_n3A_167 = arith.select %and3A_164, %add3A_166, %scan3A_122 : i32
        %ne3A_168 = arith.cmpi ne, %add3A_131, %add3A_149 : i32
        %or3A_169 = arith.constant false
        %or3A_170 = arith.ori %or3A_169, %ne3A_168 : i1
        %or3A_171 = arith.constant false
        %or3A_172 = arith.ori %or3A_170, %or3A_171 : i1
        %ge3A_173 = arith.constant 1 : i32
        %ge3A_174 = arith.cmpi sge, %scan3A_121, %ge3A_173 : i32
        %not3A_175 = arith.constant true
        %not3A_176 = arith.xori %ge3A_174, %not3A_175 : i1
        %and3A_177 = arith.andi %or3A_172, %not3A_176 : i1
        %ne3A_178 = arith.cmpi ne, %add3A_131, %add3A_140 : i32
        %or3A_179 = arith.constant false
        %or3A_180 = arith.ori %or3A_179, %ne3A_178 : i1
        %or3A_181 = arith.ori %or3A_180, %eq3A_128 : i1
        %convert_element_type3A_182 = arith.extui %or3A_181 : i1 to i32
        %cond3A_183 = arith.constant 0 : i32
        %cond3A_184 = arith.cmpi ne, %convert_element_type3A_182, %cond3A_183 : i32
        scf.if %cond3A_184 {
          "tpu.trace_start"() <{level = 10 : i32, message = "ep_wait_in"}> : () -> ()
          %mul3A_264 = arith.constant 128 : i32
          %mul3A_265 = arith.muli %mul3A_264, %add3A_131 : i32
          %rem3A_266 = arith.constant 2 : i32
          %rem3A_267 = arith.remui %scan3A_123, %rem3A_266 : i32
          %dma_wait3A_268 = arith.constant 0 : i32
          %dma_wait3A_269 = arith.constant 0 : i32
          %dma_wait3A_270 = tpu.memref_slice %run_scoped3A[%rem3A_267, %dma_wait3A_268, %dma_wait3A_269] : memref<2x1x128xi32, #tpu.memory_space<vmem>> -> memref<1x1x128xi32, #tpu.memory_space<vmem>>
          %dma_wait3A_271 = tpu.memref_squeeze %dma_wait3A_270 : memref<1x1x128xi32, #tpu.memory_space<vmem>> -> memref<1x128xi32, #tpu.memory_space<vmem>>
          %dma_wait3A_272 = arith.constant 0 : i32
          %dma_wait3A_273 = tpu.memref_slice %arg3[%dma_wait3A_272, %mul3A_265] : memref<1x8192xi32, #tpu.memory_space<hbm>> -> memref<1x128xi32, #tpu.memory_space<hbm>>
          %dma_wait3A_274 = tpu.memref_slice %run_scoped3A_7[%rem3A_267] : memref<2x!tpu.dma_semaphore, #tpu.memory_space<semaphore_mem>> -> memref<1x!tpu.dma_semaphore, #tpu.memory_space<semaphore_mem>>
          %dma_wait3A_275 = tpu.memref_squeeze %dma_wait3A_274 : memref<1x!tpu.dma_semaphore, #tpu.memory_space<semaphore_mem>> -> memref<!tpu.dma_semaphore, #tpu.memory_space<semaphore_mem>>
          %dma_wait3A_276 = arith.constant 0 : i32
          %dma_wait3A_277 = arith.constant 0 : i32
          %dma_wait3A_278 = tpu.memref_slice %run_scoped3A[%rem3A_267, %dma_wait3A_276, %dma_wait3A_277] : memref<2x1x128xi32, #tpu.memory_space<vmem>> -> memref<1x1x128xi32, #tpu.memory_space<vmem>>
          %dma_wait3A_279 = tpu.memref_squeeze %dma_wait3A_278 : memref<1x1x128xi32, #tpu.memory_space<vmem>> -> memref<1x128xi32, #tpu.memory_space<vmem>>
          %dma_wait3A_280 = arith.constant 0 : i32
          %dma_wait3A_281 = tpu.memref_slice %arg3[%dma_wait3A_280, %mul3A_265] : memref<1x8192xi32, #tpu.memory_space<hbm>> -> memref<1x128xi32, #tpu.memory_space<hbm>>
          tpu.wait_dma2 semaphore(%dma_wait3A_275 : memref<!tpu.dma_semaphore, #tpu.memory_space<semaphore_mem>>) src(%dma_wait3A_281 : memref<1x128xi32, #tpu.memory_space<hbm>>) dst(%dma_wait3A_279 : memref<1x128xi32, #tpu.memory_space<vmem>>)
          "tpu.trace_stop"() : () -> ()
        } else {
        }
        %ne3A_185 = arith.cmpi ne, %add3A_131, %add3A_140 : i32
        %or3A_186 = arith.constant false
        %or3A_187 = arith.ori %or3A_186, %ne3A_185 : i1
        %or3A_188 = arith.constant false
        %or3A_189 = arith.ori %or3A_187, %or3A_188 : i1
        %or3A_190 = arith.ori %or3A_189, %eq3A_128 : i1
        %convert_element_type3A_191 = arith.extui %or3A_190 : i1 to i32
        %cond3A_192 = arith.constant 0 : i32
        %cond3A_193 = arith.cmpi ne, %convert_element_type3A_191, %cond3A_192 : i32
        scf.if %cond3A_193 {
        } else {
        }
        %rem3A_194 = arith.constant 2 : i32
        %rem3A_195 = arith.remui %scan3A_123, %rem3A_194 : i32
        %rem3A_196 = arith.constant 2 : i32
        %rem3A_197 = arith.remui %scan3A_124, %rem3A_196 : i32
        %run_scoped3A_198 = arith.constant 0 : i32
        "tpu.trace_start"() <{level = 10 : i32, message = "ep_run_kernel"}> : () -> ()
        "tpu.region"() ({
          %run_scoped3A_264 = tpu.sem_alloc : memref<!tpu.dma_semaphore, #tpu.memory_space<semaphore_mem>>
          %dma_start3A_265 = arith.constant 0 : i32
          %dma_start3A_266 = arith.constant 0 : i32
          %dma_start3A_267 = tpu.memref_slice %run_scoped3A_8[%rem3A_197, %dma_start3A_265, %dma_start3A_266] : memref<2x128x384xf32, #tpu.memory_space<vmem>> -> memref<1x128x384xf32, #tpu.memory_space<vmem>>
          %dma_start3A_268 = tpu.memref_squeeze %dma_start3A_267 : memref<1x128x384xf32, #tpu.memory_space<vmem>> -> memref<128x384xf32, #tpu.memory_space<vmem>>
          %dma_start3A_269 = arith.constant 0 : i32
          %dma_start3A_270 = arith.constant 0 : i32
          %dma_start3A_271 = tpu.memref_slice %run_scoped3A[%rem3A_195, %dma_start3A_269, %dma_start3A_270] : memref<2x1x128xi32, #tpu.memory_space<vmem>> -> memref<1x1x128xi32, #tpu.memory_space<vmem>>
          %dma_start3A_272 = tpu.memref_squeeze %dma_start3A_271 : memref<1x1x128xi32, #tpu.memory_space<vmem>> -> memref<1x128xi32, #tpu.memory_space<vmem>>
          %dma_start3A_273 = arith.constant 0 : i32
          %dma_start3A_274 = tpu.memref_slice %dma_start3A_272[%run_scoped3A_198, %dma_start3A_273] : memref<1x128xi32, #tpu.memory_space<vmem>> -> memref<1x128xi32, #tpu.memory_space<vmem>>
          %dma_start3A_275 = tpu.memref_squeeze %dma_start3A_274 : memref<1x128xi32, #tpu.memory_space<vmem>> -> memref<128xi32, #tpu.memory_space<vmem>>
          %dma_start3A_276 = arith.constant 0 : i32
          %dma_start3A_277 = arith.constant 0 : i32
          %dma_start3A_278 = tpu.memref_slice %arg2[%dma_start3A_276, %dma_start3A_277] : memref<8192x384xf32, #tpu.memory_space<hbm>> -> memref<8192x384xf32, #tpu.memory_space<hbm>>
          tpu.enqueue_indirect_dma source(%dma_start3A_278 : memref<8192x384xf32, #tpu.memory_space<hbm>>) target(%dma_start3A_268 : memref<128x384xf32, #tpu.memory_space<vmem>>) offsets(%dma_start3A_275 : memref<128xi32, #tpu.memory_space<vmem>>) semaphore(%run_scoped3A_264 : memref<!tpu.dma_semaphore, #tpu.memory_space<semaphore_mem>>)
          %dma_wait3A_279 = arith.constant 0 : i32
          %dma_wait3A_280 = arith.constant 0 : i32
          %dma_wait3A_281 = tpu.memref_slice %run_scoped3A_8[%rem3A_197, %dma_wait3A_279, %dma_wait3A_280] : memref<2x128x384xf32, #tpu.memory_space<vmem>> -> memref<1x128x384xf32, #tpu.memory_space<vmem>>
          %dma_wait3A_282 = tpu.memref_squeeze %dma_wait3A_281 : memref<1x128x384xf32, #tpu.memory_space<vmem>> -> memref<128x384xf32, #tpu.memory_space<vmem>>
          %dma_wait3A_283 = arith.constant 0 : i32
          %dma_wait3A_284 = arith.constant 0 : i32
          %dma_wait3A_285 = tpu.memref_slice %run_scoped3A[%rem3A_195, %dma_wait3A_283, %dma_wait3A_284] : memref<2x1x128xi32, #tpu.memory_space<vmem>> -> memref<1x1x128xi32, #tpu.memory_space<vmem>>
          %dma_wait3A_286 = tpu.memref_squeeze %dma_wait3A_285 : memref<1x1x128xi32, #tpu.memory_space<vmem>> -> memref<1x128xi32, #tpu.memory_space<vmem>>
          %dma_wait3A_287 = arith.constant 0 : i32
          %dma_wait3A_288 = tpu.memref_slice %dma_wait3A_286[%run_scoped3A_198, %dma_wait3A_287] : memref<1x128xi32, #tpu.memory_space<vmem>> -> memref<1x128xi32, #tpu.memory_space<vmem>>
          %dma_wait3A_289 = tpu.memref_squeeze %dma_wait3A_288 : memref<1x128xi32, #tpu.memory_space<vmem>> -> memref<128xi32, #tpu.memory_space<vmem>>
          %dma_wait3A_290 = arith.constant 0 : i32
          %dma_wait3A_291 = arith.constant 0 : i32
          %dma_wait3A_292 = tpu.memref_slice %arg2[%dma_wait3A_290, %dma_wait3A_291] : memref<8192x384xf32, #tpu.memory_space<hbm>> -> memref<8192x384xf32, #tpu.memory_space<hbm>>
          tpu.wait_indirect_dma semaphore(%run_scoped3A_264 : memref<!tpu.dma_semaphore, #tpu.memory_space<semaphore_mem>>) src(%dma_wait3A_292 : memref<8192x384xf32, #tpu.memory_space<hbm>>) dst(%dma_wait3A_282 : memref<128x384xf32, #tpu.memory_space<vmem>>)
          tpu.yield
        }) : () -> ()
        "tpu.trace_stop"() : () -> ()
        %ne3A_199 = arith.cmpi ne, %add3A_131, %add3A_149 : i32
        %or3A_200 = arith.constant false
        %or3A_201 = arith.ori %or3A_200, %ne3A_199 : i1
        %or3A_202 = arith.ori %or3A_201, %eq3A_130 : i1
        %convert_element_type3A_203 = arith.extui %or3A_202 : i1 to i32
        %cond3A_204 = arith.constant 0 : i32
        %cond3A_205 = arith.cmpi ne, %convert_element_type3A_203, %cond3A_204 : i32
        scf.if %cond3A_205 {
        } else {
        }
        %and3A_206 = arith.constant false
        %and3A_207 = arith.andi %or3A_202, %and3A_206 : i1
        %ne3A_208 = arith.cmpi ne, %add3A_131, %add3A_149 : i32
        %or3A_209 = arith.constant false
        %or3A_210 = arith.ori %or3A_209, %ne3A_208 : i1
        %or3A_211 = arith.constant false
        %or3A_212 = arith.ori %or3A_210, %or3A_211 : i1
        %or3A_213 = arith.ori %or3A_212, %eq3A_130 : i1
        %convert_element_type3A_214 = arith.extui %or3A_213 : i1 to i32
        %cond3A_215 = arith.constant 0 : i32
        %cond3A_216 = arith.cmpi ne, %convert_element_type3A_214, %cond3A_215 : i32
        scf.if %cond3A_216 {
          "tpu.trace_start"() <{level = 10 : i32, message = "ep_copy_out"}> : () -> ()
          %rem3A_264 = arith.constant 2 : i32
          %rem3A_265 = arith.remui %scan3A_124, %rem3A_264 : i32
          %mul3A_266 = arith.constant 128 : i32
          %mul3A_267 = arith.muli %mul3A_266, %add3A_131 : i32
          %dma_start3A_268 = arith.constant 0 : i32
          %dma_start3A_269 = arith.constant 0 : i32
          %dma_start3A_270 = tpu.memref_slice %run_scoped3A_8[%rem3A_265, %dma_start3A_268, %dma_start3A_269] : memref<2x128x384xf32, #tpu.memory_space<vmem>> -> memref<1x128x384xf32, #tpu.memory_space<vmem>>
          %dma_start3A_271 = tpu.memref_squeeze %dma_start3A_270 : memref<1x128x384xf32, #tpu.memory_space<vmem>> -> memref<128x384xf32, #tpu.memory_space<vmem>>
          %dma_start3A_272 = arith.constant 0 : i32
          %dma_start3A_273 = tpu.memref_slice %arg4[%mul3A_267, %dma_start3A_272] : memref<8192x384xf32, #tpu.memory_space<hbm>> -> memref<128x384xf32, #tpu.memory_space<hbm>>
          %dma_start3A_274 = tpu.memref_slice %run_scoped3A_9[%rem3A_265] : memref<2x!tpu.dma_semaphore, #tpu.memory_space<semaphore_mem>> -> memref<1x!tpu.dma_semaphore, #tpu.memory_space<semaphore_mem>>
          %dma_start3A_275 = tpu.memref_squeeze %dma_start3A_274 : memref<1x!tpu.dma_semaphore, #tpu.memory_space<semaphore_mem>> -> memref<!tpu.dma_semaphore, #tpu.memory_space<semaphore_mem>>
          %dma_start3A_276 = arith.constant 0 : i32
          %dma_start3A_277 = tpu.memref_slice %arg4[%mul3A_267, %dma_start3A_276] : memref<8192x384xf32, #tpu.memory_space<hbm>> -> memref<128x384xf32, #tpu.memory_space<hbm>>
          %dma_start3A_278 = arith.constant 0 : i32
          %dma_start3A_279 = arith.constant 0 : i32
          %dma_start3A_280 = tpu.memref_slice %run_scoped3A_8[%rem3A_265, %dma_start3A_278, %dma_start3A_279] : memref<2x128x384xf32, #tpu.memory_space<vmem>> -> memref<1x128x384xf32, #tpu.memory_space<vmem>>
          %dma_start3A_281 = tpu.memref_squeeze %dma_start3A_280 : memref<1x128x384xf32, #tpu.memory_space<vmem>> -> memref<128x384xf32, #tpu.memory_space<vmem>>
          tpu.enqueue_dma source(%dma_start3A_281 : memref<128x384xf32, #tpu.memory_space<vmem>>) target(%dma_start3A_277 : memref<128x384xf32, #tpu.memory_space<hbm>>) target_semaphore(%dma_start3A_275 : memref<!tpu.dma_semaphore, #tpu.memory_space<semaphore_mem>>)
          "tpu.trace_stop"() : () -> ()
        } else {
        }
        %and3A_217 = arith.constant true
        %and3A_218 = arith.andi %or3A_213, %and3A_217 : i1
        %add3A_219 = arith.constant 1 : i32
        %add3A_220 = arith.addi %scan3A_124, %add3A_219 : i32
        %select_n3A_221 = arith.select %and3A_218, %add3A_220, %scan3A_124 : i32
        %ne3A_222 = arith.cmpi ne, %add3A_131, %add3A_140 : i32
        %or3A_223 = arith.constant false
        %or3A_224 = arith.ori %or3A_223, %ne3A_222 : i1
        %not3A_225 = arith.constant true
        %not3A_226 = arith.xori %eq3A_128, %not3A_225 : i1
        %and3A_227 = arith.andi %or3A_224, %not3A_226 : i1
        %convert_element_type3A_228 = arith.extui %and3A_227 : i1 to i32
        %cond3A_229 = arith.constant 0 : i32
        %cond3A_230 = arith.cmpi ne, %convert_element_type3A_228, %cond3A_229 : i32
        scf.if %cond3A_230 {
        } else {
        }
        %and3A_231 = arith.constant false
        %and3A_232 = arith.andi %and3A_227, %and3A_231 : i1
        %ne3A_233 = arith.cmpi ne, %add3A_131, %add3A_140 : i32
        %or3A_234 = arith.constant false
        %or3A_235 = arith.ori %or3A_234, %ne3A_233 : i1
        %or3A_236 = arith.constant false
        %or3A_237 = arith.ori %or3A_235, %or3A_236 : i1
        %not3A_238 = arith.constant true
        %not3A_239 = arith.xori %eq3A_128, %not3A_238 : i1
        %and3A_240 = arith.andi %or3A_237, %not3A_239 : i1
        %convert_element_type3A_241 = arith.extui %and3A_240 : i1 to i32
        %cond3A_242 = arith.constant 0 : i32
        %cond3A_243 = arith.cmpi ne, %convert_element_type3A_241, %cond3A_242 : i32
        scf.if %cond3A_243 {
          "tpu.trace_start"() <{level = 10 : i32, message = "ep_wait_out"}> : () -> ()
          %rem3A_264 = arith.constant 2 : i32
          %rem3A_265 = arith.remui %scan3A_125, %rem3A_264 : i32
          %mul3A_266 = arith.constant 128 : i32
          %mul3A_267 = arith.muli %mul3A_266, %add3A_140 : i32
          %dma_wait3A_268 = arith.constant 0 : i32
          %dma_wait3A_269 = arith.constant 0 : i32
          %dma_wait3A_270 = tpu.memref_slice %run_scoped3A_8[%rem3A_265, %dma_wait3A_268, %dma_wait3A_269] : memref<2x128x384xf32, #tpu.memory_space<vmem>> -> memref<1x128x384xf32, #tpu.memory_space<vmem>>
          %dma_wait3A_271 = tpu.memref_squeeze %dma_wait3A_270 : memref<1x128x384xf32, #tpu.memory_space<vmem>> -> memref<128x384xf32, #tpu.memory_space<vmem>>
          %dma_wait3A_272 = arith.constant 0 : i32
          %dma_wait3A_273 = tpu.memref_slice %arg4[%mul3A_267, %dma_wait3A_272] : memref<8192x384xf32, #tpu.memory_space<hbm>> -> memref<128x384xf32, #tpu.memory_space<hbm>>
          %dma_wait3A_274 = tpu.memref_slice %run_scoped3A_9[%rem3A_265] : memref<2x!tpu.dma_semaphore, #tpu.memory_space<semaphore_mem>> -> memref<1x!tpu.dma_semaphore, #tpu.memory_space<semaphore_mem>>
          %dma_wait3A_275 = tpu.memref_squeeze %dma_wait3A_274 : memref<1x!tpu.dma_semaphore, #tpu.memory_space<semaphore_mem>> -> memref<!tpu.dma_semaphore, #tpu.memory_space<semaphore_mem>>
          %dma_wait3A_276 = arith.constant 0 : i32
          %dma_wait3A_277 = tpu.memref_slice %arg4[%mul3A_267, %dma_wait3A_276] : memref<8192x384xf32, #tpu.memory_space<hbm>> -> memref<128x384xf32, #tpu.memory_space<hbm>>
          %dma_wait3A_278 = arith.constant 0 : i32
          %dma_wait3A_279 = arith.constant 0 : i32
          %dma_wait3A_280 = tpu.memref_slice %run_scoped3A_8[%rem3A_265, %dma_wait3A_278, %dma_wait3A_279] : memref<2x128x384xf32, #tpu.memory_space<vmem>> -> memref<1x128x384xf32, #tpu.memory_space<vmem>>
          %dma_wait3A_281 = tpu.memref_squeeze %dma_wait3A_280 : memref<1x128x384xf32, #tpu.memory_space<vmem>> -> memref<128x384xf32, #tpu.memory_space<vmem>>
          tpu.wait_dma2 semaphore(%dma_wait3A_275 : memref<!tpu.dma_semaphore, #tpu.memory_space<semaphore_mem>>) src(%dma_wait3A_281 : memref<128x384xf32, #tpu.memory_space<vmem>>) dst(%dma_wait3A_277 : memref<128x384xf32, #tpu.memory_space<hbm>>)
          "tpu.trace_stop"() : () -> ()
        } else {
        }
        %and3A_244 = arith.constant true
        %and3A_245 = arith.andi %and3A_240, %and3A_244 : i1
        %add3A_246 = arith.constant 1 : i32
        %add3A_247 = arith.addi %scan3A_125, %add3A_246 : i32
        %select_n3A_248 = arith.select %and3A_245, %add3A_247, %scan3A_125 : i32
        %ne3A_249 = arith.cmpi ne, %add3A_131, %add3A_149 : i32
        %or3A_250 = arith.constant false
        %or3A_251 = arith.ori %or3A_250, %ne3A_249 : i1
        %or3A_252 = arith.ori %or3A_251, %eq3A_130 : i1
        %add3A_253 = arith.constant 1 : i32
        %add3A_254 = arith.addi %scan3A_123, %add3A_253 : i32
        %select_n3A_255 = arith.select %or3A_252, %add3A_254, %scan3A_123 : i32
        %add3A_256 = arith.constant 1 : i32
        %add3A_257 = arith.addi %scan3A_126, %add3A_256 : i32
        %select_n3A_258 = arith.constant true
        %select_n3A_259 = arith.select %select_n3A_258, %add3A_257, %scan3A_126 : i32
        %eq3A_260 = arith.constant 2 : i32
        %eq3A_261 = arith.cmpi eq, %select_n3A_259, %eq3A_260 : i32
        %select_n3A_262 = arith.constant 0 : i32
        %select_n3A_263 = arith.select %eq3A_261, %select_n3A_262, %select_n3A_259 : i32
        scf.yield %select_n3A_167, %select_n3A_255, %select_n3A_221, %select_n3A_248, %select_n3A_263 : i32, i32, i32, i32, i32
      }
      %scan3A_68 = arith.constant 2 : i32
      %sub3A = arith.constant 1 : i32
      %sub3A_69 = arith.subi %scan3A_67#4, %sub3A : i32
      %select_n3A_70 = arith.constant true
      %select_n3A_71 = arith.select %select_n3A_70, %sub3A_69, %scan3A_67#4 : i32
      %eq3A_72 = arith.constant -1 : i32
      %eq3A_73 = arith.cmpi eq, %select_n3A_71, %eq3A_72 : i32
      %select_n3A_74 = arith.constant 1 : i32
      %select_n3A_75 = arith.select %eq3A_73, %select_n3A_74, %select_n3A_71 : i32
      %add3A_76 = arith.addi %select_n3A_75, %mul3A_6 : i32
      %sub3A_77 = arith.constant 1 : i32
      %sub3A_78 = arith.subi %select_n3A_75, %sub3A_77 : i32
      %select_n3A_79 = arith.constant true
      %select_n3A_80 = arith.select %select_n3A_79, %sub3A_78, %select_n3A_75 : i32
      %eq3A_81 = arith.constant -1 : i32
      %eq3A_82 = arith.cmpi eq, %select_n3A_80, %eq3A_81 : i32
      %select_n3A_83 = arith.constant 1 : i32
      %select_n3A_84 = arith.select %eq3A_82, %select_n3A_83, %select_n3A_80 : i32
      %add3A_85 = arith.addi %select_n3A_84, %mul3A_6 : i32
      %add3A_86 = arith.constant 1 : i32
      %add3A_87 = arith.addi %select_n3A_75, %add3A_86 : i32
      %select_n3A_88 = arith.constant true
      %select_n3A_89 = arith.select %select_n3A_88, %add3A_87, %select_n3A_75 : i32
      %eq3A_90 = arith.constant 2 : i32
      %eq3A_91 = arith.cmpi eq, %select_n3A_89, %eq3A_90 : i32
      %select_n3A_92 = arith.constant 0 : i32
      %select_n3A_93 = arith.select %eq3A_91, %select_n3A_92, %select_n3A_89 : i32
      %add3A_94 = arith.addi %select_n3A_93, %mul3A_6 : i32
      %add3A_95 = arith.constant 1 : i32
      %add3A_96 = arith.addi %select_n3A_93, %add3A_95 : i32
      %select_n3A_97 = arith.constant true
      %select_n3A_98 = arith.select %select_n3A_97, %add3A_96, %select_n3A_93 : i32
      %eq3A_99 = arith.constant 2 : i32
      %eq3A_100 = arith.cmpi eq, %select_n3A_98, %eq3A_99 : i32
      %select_n3A_101 = arith.constant 0 : i32
      %select_n3A_102 = arith.select %eq3A_100, %select_n3A_101, %select_n3A_98 : i32
      %add3A_103 = arith.addi %select_n3A_102, %mul3A_6 : i32
      "tpu.trace_start"() <{level = 10 : i32, message = "ep_finalize"}> : () -> ()
      %rem3A_104 = arith.constant 2 : i32
      %rem3A_105 = arith.remui %scan3A_67#3, %rem3A_104 : i32
      %mul3A_106 = arith.constant 128 : i32
      %mul3A_107 = arith.muli %mul3A_106, %add3A_76 : i32
      %dma_wait3A = arith.constant 0 : i32
      %dma_wait3A_108 = arith.constant 0 : i32
      %dma_wait3A_109 = tpu.memref_slice %run_scoped3A_8[%rem3A_105, %dma_wait3A, %dma_wait3A_108] : memref<2x128x384xf32, #tpu.memory_space<vmem>> -> memref<1x128x384xf32, #tpu.memory_space<vmem>>
      %dma_wait3A_110 = tpu.memref_squeeze %dma_wait3A_109 : memref<1x128x384xf32, #tpu.memory_space<vmem>> -> memref<128x384xf32, #tpu.memory_space<vmem>>
      %dma_wait3A_111 = arith.constant 0 : i32
      %dma_wait3A_112 = tpu.memref_slice %arg4[%mul3A_107, %dma_wait3A_111] : memref<8192x384xf32, #tpu.memory_space<hbm>> -> memref<128x384xf32, #tpu.memory_space<hbm>>
      %dma_wait3A_113 = tpu.memref_slice %run_scoped3A_9[%rem3A_105] : memref<2x!tpu.dma_semaphore, #tpu.memory_space<semaphore_mem>> -> memref<1x!tpu.dma_semaphore, #tpu.memory_space<semaphore_mem>>
      %dma_wait3A_114 = tpu.memref_squeeze %dma_wait3A_113 : memref<1x!tpu.dma_semaphore, #tpu.memory_space<semaphore_mem>> -> memref<!tpu.dma_semaphore, #tpu.memory_space<semaphore_mem>>
      %dma_wait3A_115 = arith.constant 0 : i32
      %dma_wait3A_116 = tpu.memref_slice %arg4[%mul3A_107, %dma_wait3A_115] : memref<8192x384xf32, #tpu.memory_space<hbm>> -> memref<128x384xf32, #tpu.memory_space<hbm>>
      %dma_wait3A_117 = arith.constant 0 : i32
      %dma_wait3A_118 = arith.constant 0 : i32
      %dma_wait3A_119 = tpu.memref_slice %run_scoped3A_8[%rem3A_105, %dma_wait3A_117, %dma_wait3A_118] : memref<2x128x384xf32, #tpu.memory_space<vmem>> -> memref<1x128x384xf32, #tpu.memory_space<vmem>>
      %dma_wait3A_120 = tpu.memref_squeeze %dma_wait3A_119 : memref<1x128x384xf32, #tpu.memory_space<vmem>> -> memref<128x384xf32, #tpu.memory_space<vmem>>
      tpu.wait_dma2 semaphore(%dma_wait3A_114 : memref<!tpu.dma_semaphore, #tpu.memory_space<semaphore_mem>>) src(%dma_wait3A_120 : memref<128x384xf32, #tpu.memory_space<vmem>>) dst(%dma_wait3A_116 : memref<128x384xf32, #tpu.memory_space<hbm>>)
      "tpu.trace_stop"() : () -> ()
      tpu.yield
    }) : () -> ()
    return
  }
}

#map = affine_map<(d0, d1) -> (0, 0)>
module attributes {stable_mosaic.version = 14 : i64} {
  func.func @gather_kernel(%arg0: i32, %arg1: i32, %arg2: memref<100514x384xf32, #tpu.memory_space<hbm>>, %arg3: memref<1x8192xi32, #tpu.memory_space<hbm>>, %arg4: memref<8192x384xf32, #tpu.memory_space<hbm>>) attributes {dimension_semantics = [#tpu.dimension_semantics<core_parallel>, #tpu.dimension_semantics<subcore_parallel>], iteration_bounds = array<i64: 2, 16>, scalar_prefetch = 0 : i64, scratch_operands = 0 : i64, tpu.core_type = #tpu.core_type<sc_vector_subcore>, window_params = [{transform_indices = #map}, {transform_indices = #map}, {transform_indices = #map}]} {
    %mul3A = arith.constant 1 : i32
    %mul3A_0 = arith.muli %arg1, %mul3A : i32
    %add3A = arith.constant 0 : i32
    %add3A_1 = arith.addi %add3A, %mul3A_0 : i32
    %mul3A_2 = arith.constant 16 : i32
    %mul3A_3 = arith.muli %arg0, %mul3A_2 : i32
    %add3A_4 = arith.addi %add3A_1, %mul3A_3 : i32
    %mul3A_5 = arith.constant 2 : i32
    %mul3A_6 = arith.muli %add3A_4, %mul3A_5 : i32
    "tpu.region"() ({
      %run_scoped3A = memref.alloca() : memref<2x1x128xi32, #tpu.memory_space<vmem>>
      %run_scoped3A_7 = tpu.sem_alloc : memref<2x!tpu.dma_semaphore, #tpu.memory_space<semaphore_mem>>
      %run_scoped3A_8 = memref.alloca() : memref<2x128x384xf32, #tpu.memory_space<vmem>>
      %run_scoped3A_9 = tpu.sem_alloc : memref<2x!tpu.dma_semaphore, #tpu.memory_space<semaphore_mem>>
      %add3A_10 = arith.constant 0 : i32
      %add3A_11 = arith.addi %add3A_10, %mul3A_6 : i32
      %select_n3A = arith.constant true
      %select_n3A_12 = arith.constant 0 : i32
      %select_n3A_13 = arith.constant -1 : i32
      %select_n3A_14 = arith.select %select_n3A, %select_n3A_13, %select_n3A_12 : i32
      %eq3A = arith.constant -1 : i32
      %eq3A_15 = arith.cmpi eq, %select_n3A_14, %eq3A : i32
      %select_n3A_16 = arith.constant 1 : i32
      %select_n3A_17 = arith.select %eq3A_15, %select_n3A_16, %select_n3A_14 : i32
      %add3A_18 = arith.addi %select_n3A_17, %mul3A_6 : i32
      %select_n3A_19 = arith.constant true
      %select_n3A_20 = arith.constant 0 : i32
      %select_n3A_21 = arith.constant 1 : i32
      %select_n3A_22 = arith.select %select_n3A_19, %select_n3A_21, %select_n3A_20 : i32
      %eq3A_23 = arith.constant 2 : i32
      %eq3A_24 = arith.cmpi eq, %select_n3A_22, %eq3A_23 : i32
      %select_n3A_25 = arith.constant 0 : i32
      %select_n3A_26 = arith.select %eq3A_24, %select_n3A_25, %select_n3A_22 : i32
      %add3A_27 = arith.addi %select_n3A_26, %mul3A_6 : i32
      %add3A_28 = arith.constant 1 : i32
      %add3A_29 = arith.addi %select_n3A_26, %add3A_28 : i32
      %select_n3A_30 = arith.constant true
      %select_n3A_31 = arith.select %select_n3A_30, %add3A_29, %select_n3A_26 : i32
      %eq3A_32 = arith.constant 2 : i32
      %eq3A_33 = arith.cmpi eq, %select_n3A_31, %eq3A_32 : i32
      %select_n3A_34 = arith.constant 0 : i32
      %select_n3A_35 = arith.select %eq3A_33, %select_n3A_34, %select_n3A_31 : i32
      %add3A_36 = arith.addi %select_n3A_35, %mul3A_6 : i32
      "tpu.trace_start"() <{level = 10 : i32, message = "ep_initialize_0"}> : () -> ()
      %rem3A = arith.constant 0 : i32
      %rem3A_37 = arith.constant 2 : i32
      %rem3A_38 = arith.remui %rem3A, %rem3A_37 : i32
      %mul3A_39 = arith.constant 128 : i32
      %mul3A_40 = arith.muli %mul3A_39, %add3A_11 : i32
      %dma_start3A = arith.constant 0 : i32
      %dma_start3A_41 = arith.constant 0 : i32
      %dma_start3A_42 = tpu.memref_slice %run_scoped3A[%rem3A_38, %dma_start3A, %dma_start3A_41] : memref<2x1x128xi32, #tpu.memory_space<vmem>> -> memref<1x1x128xi32, #tpu.memory_space<vmem>>
      %dma_start3A_43 = tpu.memref_squeeze %dma_start3A_42 : memref<1x1x128xi32, #tpu.memory_space<vmem>> -> memref<1x128xi32, #tpu.memory_space<vmem>>
      %dma_start3A_44 = arith.constant 0 : i32
      %dma_start3A_45 = tpu.memref_slice %arg3[%dma_start3A_44, %mul3A_40] : memref<1x8192xi32, #tpu.memory_space<hbm>> -> memref<1x128xi32, #tpu.memory_space<hbm>>
      %dma_start3A_46 = tpu.memref_slice %run_scoped3A_7[%rem3A_38] : memref<2x!tpu.dma_semaphore, #tpu.memory_space<semaphore_mem>> -> memref<1x!tpu.dma_semaphore, #tpu.memory_space<semaphore_mem>>
      %dma_start3A_47 = tpu.memref_squeeze %dma_start3A_46 : memref<1x!tpu.dma_semaphore, #tpu.memory_space<semaphore_mem>> -> memref<!tpu.dma_semaphore, #tpu.memory_space<semaphore_mem>>
      %dma_start3A_48 = arith.constant 0 : i32
      %dma_start3A_49 = arith.constant 0 : i32
      %dma_start3A_50 = tpu.memref_slice %run_scoped3A[%rem3A_38, %dma_start3A_48, %dma_start3A_49] : memref<2x1x128xi32, #tpu.memory_space<vmem>> -> memref<1x1x128xi32, #tpu.memory_space<vmem>>
      %dma_start3A_51 = tpu.memref_squeeze %dma_start3A_50 : memref<1x1x128xi32, #tpu.memory_space<vmem>> -> memref<1x128xi32, #tpu.memory_space<vmem>>
      %dma_start3A_52 = arith.constant 0 : i32
      %dma_start3A_53 = tpu.memref_slice %arg3[%dma_start3A_52, %mul3A_40] : memref<1x8192xi32, #tpu.memory_space<hbm>> -> memref<1x128xi32, #tpu.memory_space<hbm>>
      tpu.enqueue_dma source(%dma_start3A_53 : memref<1x128xi32, #tpu.memory_space<hbm>>) target(%dma_start3A_51 : memref<1x128xi32, #tpu.memory_space<vmem>>) target_semaphore(%dma_start3A_47 : memref<!tpu.dma_semaphore, #tpu.memory_space<semaphore_mem>>)
      %add3A_54 = arith.constant 0 : i32
      %add3A_55 = arith.constant 1 : i32
      %add3A_56 = arith.addi %add3A_54, %add3A_55 : i32
      %select_n3A_57 = arith.constant true
      %select_n3A_58 = arith.constant 0 : i32
      %select_n3A_59 = arith.select %select_n3A_57, %add3A_56, %select_n3A_58 : i32
      "tpu.trace_stop"() : () -> ()
      %scan3A = arith.constant 0 : i32
      %scan3A_60 = arith.constant 0 : i32
      %scan3A_61 = arith.constant 0 : i32
      %scan3A_62 = arith.constant 0 : i32
      %scan3A_63 = arith.constant 0 : i32
      %scan3A_64 = arith.constant 2 : i32
      %scan3A_65 = arith.addi %scan3A_63, %scan3A_64 : i32
      %scan3A_66 = arith.constant 1 : i32
      %scan3A_67:5 = scf.for %scan3A_121 = %scan3A_63 to %scan3A_65 step %scan3A_66 iter_args(%scan3A_122 = %select_n3A_59, %scan3A_123 = %scan3A, %scan3A_124 = %scan3A_60, %scan3A_125 = %scan3A_61, %scan3A_126 = %scan3A_62) -> (i32, i32, i32, i32, i32)  : i32 {
        %eq3A_127 = arith.constant 0 : i32
        %eq3A_128 = arith.cmpi eq, %scan3A_121, %eq3A_127 : i32
        %eq3A_129 = arith.constant 1 : i32
        %eq3A_130 = arith.cmpi eq, %scan3A_121, %eq3A_129 : i32
        %add3A_131 = arith.addi %scan3A_126, %mul3A_6 : i32
        %sub3A_132 = arith.constant 1 : i32
        %sub3A_133 = arith.subi %scan3A_126, %sub3A_132 : i32
        %select_n3A_134 = arith.constant true
        %select_n3A_135 = arith.select %select_n3A_134, %sub3A_133, %scan3A_126 : i32
        %eq3A_136 = arith.constant -1 : i32
        %eq3A_137 = arith.cmpi eq, %select_n3A_135, %eq3A_136 : i32
        %select_n3A_138 = arith.constant 1 : i32
        %select_n3A_139 = arith.select %eq3A_137, %select_n3A_138, %select_n3A_135 : i32
        %add3A_140 = arith.addi %select_n3A_139, %mul3A_6 : i32
        %add3A_141 = arith.constant 1 : i32
        %add3A_142 = arith.addi %scan3A_126, %add3A_141 : i32
        %select_n3A_143 = arith.constant true
        %select_n3A_144 = arith.select %select_n3A_143, %add3A_142, %scan3A_126 : i32
        %eq3A_145 = arith.constant 2 : i32
        %eq3A_146 = arith.cmpi eq, %select_n3A_144, %eq3A_145 : i32
        %select_n3A_147 = arith.constant 0 : i32
        %select_n3A_148 = arith.select %eq3A_146, %select_n3A_147, %select_n3A_144 : i32
        %add3A_149 = arith.addi %select_n3A_148, %mul3A_6 : i32
        %add3A_150 = arith.constant 1 : i32
        %add3A_151 = arith.addi %select_n3A_148, %add3A_150 : i32
        %select_n3A_152 = arith.constant true
        %select_n3A_153 = arith.select %select_n3A_152, %add3A_151, %select_n3A_148 : i32
        %eq3A_154 = arith.constant 2 : i32
        %eq3A_155 = arith.cmpi eq, %select_n3A_153, %eq3A_154 : i32
        %select_n3A_156 = arith.constant 0 : i32
        %select_n3A_157 = arith.select %eq3A_155, %select_n3A_156, %select_n3A_153 : i32
        %add3A_158 = arith.addi %select_n3A_157, %mul3A_6 : i32
        %ne3A = arith.cmpi ne, %add3A_131, %add3A_149 : i32
        %or3A = arith.constant false
        %or3A_159 = arith.ori %or3A, %ne3A : i1
        %ge3A = arith.constant 1 : i32
        %ge3A_160 = arith.cmpi sge, %scan3A_121, %ge3A : i32
        %not3A = arith.constant true
        %not3A_161 = arith.xori %ge3A_160, %not3A : i1
        %and3A = arith.andi %or3A_159, %not3A_161 : i1
        %convert_element_type3A = arith.extui %and3A : i1 to i32
        %cond3A = arith.constant 0 : i32
        %cond3A_162 = arith.cmpi ne, %convert_element_type3A, %cond3A : i32
        scf.if %cond3A_162 {
          "tpu.trace_start"() <{level = 10 : i32, message = "ep_copy_in"}> : () -> ()
          %rem3A_264 = arith.constant 2 : i32
          %rem3A_265 = arith.remui %scan3A_122, %rem3A_264 : i32
          %mul3A_266 = arith.constant 128 : i32
          %mul3A_267 = arith.muli %mul3A_266, %add3A_149 : i32
          %dma_start3A_268 = arith.constant 0 : i32
          %dma_start3A_269 = arith.constant 0 : i32
          %dma_start3A_270 = tpu.memref_slice %run_scoped3A[%rem3A_265, %dma_start3A_268, %dma_start3A_269] : memref<2x1x128xi32, #tpu.memory_space<vmem>> -> memref<1x1x128xi32, #tpu.memory_space<vmem>>
          %dma_start3A_271 = tpu.memref_squeeze %dma_start3A_270 : memref<1x1x128xi32, #tpu.memory_space<vmem>> -> memref<1x128xi32, #tpu.memory_space<vmem>>
          %dma_start3A_272 = arith.constant 0 : i32
          %dma_start3A_273 = tpu.memref_slice %arg3[%dma_start3A_272, %mul3A_267] : memref<1x8192xi32, #tpu.memory_space<hbm>> -> memref<1x128xi32, #tpu.memory_space<hbm>>
          %dma_start3A_274 = tpu.memref_slice %run_scoped3A_7[%rem3A_265] : memref<2x!tpu.dma_semaphore, #tpu.memory_space<semaphore_mem>> -> memref<1x!tpu.dma_semaphore, #tpu.memory_space<semaphore_mem>>
          %dma_start3A_275 = tpu.memref_squeeze %dma_start3A_274 : memref<1x!tpu.dma_semaphore, #tpu.memory_space<semaphore_mem>> -> memref<!tpu.dma_semaphore, #tpu.memory_space<semaphore_mem>>
          %dma_start3A_276 = arith.constant 0 : i32
          %dma_start3A_277 = arith.constant 0 : i32
          %dma_start3A_278 = tpu.memref_slice %run_scoped3A[%rem3A_265, %dma_start3A_276, %dma_start3A_277] : memref<2x1x128xi32, #tpu.memory_space<vmem>> -> memref<1x1x128xi32, #tpu.memory_space<vmem>>
          %dma_start3A_279 = tpu.memref_squeeze %dma_start3A_278 : memref<1x1x128xi32, #tpu.memory_space<vmem>> -> memref<1x128xi32, #tpu.memory_space<vmem>>
          %dma_start3A_280 = arith.constant 0 : i32
          %dma_start3A_281 = tpu.memref_slice %arg3[%dma_start3A_280, %mul3A_267] : memref<1x8192xi32, #tpu.memory_space<hbm>> -> memref<1x128xi32, #tpu.memory_space<hbm>>
          tpu.enqueue_dma source(%dma_start3A_281 : memref<1x128xi32, #tpu.memory_space<hbm>>) target(%dma_start3A_279 : memref<1x128xi32, #tpu.memory_space<vmem>>) target_semaphore(%dma_start3A_275 : memref<!tpu.dma_semaphore, #tpu.memory_space<semaphore_mem>>)
          "tpu.trace_stop"() : () -> ()
        } else {
        }
        %and3A_163 = arith.constant true
        %and3A_164 = arith.andi %and3A, %and3A_163 : i1
        %add3A_165 = arith.constant 1 : i32
        %add3A_166 = arith.addi %scan3A_122, %add3A_165 : i32
        %select_n3A_167 = arith.select %and3A_164, %add3A_166, %scan3A_122 : i32
        %ne3A_168 = arith.cmpi ne, %add3A_131, %add3A_149 : i32
        %or3A_169 = arith.constant false
        %or3A_170 = arith.ori %or3A_169, %ne3A_168 : i1
        %or3A_171 = arith.constant false
        %or3A_172 = arith.ori %or3A_170, %or3A_171 : i1
        %ge3A_173 = arith.constant 1 : i32
        %ge3A_174 = arith.cmpi sge, %scan3A_121, %ge3A_173 : i32
        %not3A_175 = arith.constant true
        %not3A_176 = arith.xori %ge3A_174, %not3A_175 : i1
        %and3A_177 = arith.andi %or3A_172, %not3A_176 : i1
        %ne3A_178 = arith.cmpi ne, %add3A_131, %add3A_140 : i32
        %or3A_179 = arith.constant false
        %or3A_180 = arith.ori %or3A_179, %ne3A_178 : i1
        %or3A_181 = arith.ori %or3A_180, %eq3A_128 : i1
        %convert_element_type3A_182 = arith.extui %or3A_181 : i1 to i32
        %cond3A_183 = arith.constant 0 : i32
        %cond3A_184 = arith.cmpi ne, %convert_element_type3A_182, %cond3A_183 : i32
        scf.if %cond3A_184 {
          "tpu.trace_start"() <{level = 10 : i32, message = "ep_wait_in"}> : () -> ()
          %mul3A_264 = arith.constant 128 : i32
          %mul3A_265 = arith.muli %mul3A_264, %add3A_131 : i32
          %rem3A_266 = arith.constant 2 : i32
          %rem3A_267 = arith.remui %scan3A_123, %rem3A_266 : i32
          %dma_wait3A_268 = arith.constant 0 : i32
          %dma_wait3A_269 = arith.constant 0 : i32
          %dma_wait3A_270 = tpu.memref_slice %run_scoped3A[%rem3A_267, %dma_wait3A_268, %dma_wait3A_269] : memref<2x1x128xi32, #tpu.memory_space<vmem>> -> memref<1x1x128xi32, #tpu.memory_space<vmem>>
          %dma_wait3A_271 = tpu.memref_squeeze %dma_wait3A_270 : memref<1x1x128xi32, #tpu.memory_space<vmem>> -> memref<1x128xi32, #tpu.memory_space<vmem>>
          %dma_wait3A_272 = arith.constant 0 : i32
          %dma_wait3A_273 = tpu.memref_slice %arg3[%dma_wait3A_272, %mul3A_265] : memref<1x8192xi32, #tpu.memory_space<hbm>> -> memref<1x128xi32, #tpu.memory_space<hbm>>
          %dma_wait3A_274 = tpu.memref_slice %run_scoped3A_7[%rem3A_267] : memref<2x!tpu.dma_semaphore, #tpu.memory_space<semaphore_mem>> -> memref<1x!tpu.dma_semaphore, #tpu.memory_space<semaphore_mem>>
          %dma_wait3A_275 = tpu.memref_squeeze %dma_wait3A_274 : memref<1x!tpu.dma_semaphore, #tpu.memory_space<semaphore_mem>> -> memref<!tpu.dma_semaphore, #tpu.memory_space<semaphore_mem>>
          %dma_wait3A_276 = arith.constant 0 : i32
          %dma_wait3A_277 = arith.constant 0 : i32
          %dma_wait3A_278 = tpu.memref_slice %run_scoped3A[%rem3A_267, %dma_wait3A_276, %dma_wait3A_277] : memref<2x1x128xi32, #tpu.memory_space<vmem>> -> memref<1x1x128xi32, #tpu.memory_space<vmem>>
          %dma_wait3A_279 = tpu.memref_squeeze %dma_wait3A_278 : memref<1x1x128xi32, #tpu.memory_space<vmem>> -> memref<1x128xi32, #tpu.memory_space<vmem>>
          %dma_wait3A_280 = arith.constant 0 : i32
          %dma_wait3A_281 = tpu.memref_slice %arg3[%dma_wait3A_280, %mul3A_265] : memref<1x8192xi32, #tpu.memory_space<hbm>> -> memref<1x128xi32, #tpu.memory_space<hbm>>
          tpu.wait_dma2 semaphore(%dma_wait3A_275 : memref<!tpu.dma_semaphore, #tpu.memory_space<semaphore_mem>>) src(%dma_wait3A_281 : memref<1x128xi32, #tpu.memory_space<hbm>>) dst(%dma_wait3A_279 : memref<1x128xi32, #tpu.memory_space<vmem>>)
          "tpu.trace_stop"() : () -> ()
        } else {
        }
        %ne3A_185 = arith.cmpi ne, %add3A_131, %add3A_140 : i32
        %or3A_186 = arith.constant false
        %or3A_187 = arith.ori %or3A_186, %ne3A_185 : i1
        %or3A_188 = arith.constant false
        %or3A_189 = arith.ori %or3A_187, %or3A_188 : i1
        %or3A_190 = arith.ori %or3A_189, %eq3A_128 : i1
        %convert_element_type3A_191 = arith.extui %or3A_190 : i1 to i32
        %cond3A_192 = arith.constant 0 : i32
        %cond3A_193 = arith.cmpi ne, %convert_element_type3A_191, %cond3A_192 : i32
        scf.if %cond3A_193 {
        } else {
        }
        %rem3A_194 = arith.constant 2 : i32
        %rem3A_195 = arith.remui %scan3A_123, %rem3A_194 : i32
        %rem3A_196 = arith.constant 2 : i32
        %rem3A_197 = arith.remui %scan3A_124, %rem3A_196 : i32
        %run_scoped3A_198 = arith.constant 0 : i32
        "tpu.trace_start"() <{level = 10 : i32, message = "ep_run_kernel"}> : () -> ()
        "tpu.region"() ({
          %run_scoped3A_264 = tpu.sem_alloc : memref<!tpu.dma_semaphore, #tpu.memory_space<semaphore_mem>>
          %dma_start3A_265 = arith.constant 0 : i32
          %dma_start3A_266 = arith.constant 0 : i32
          %dma_start3A_267 = tpu.memref_slice %run_scoped3A_8[%rem3A_197, %dma_start3A_265, %dma_start3A_266] : memref<2x128x384xf32, #tpu.memory_space<vmem>> -> memref<1x128x384xf32, #tpu.memory_space<vmem>>
          %dma_start3A_268 = tpu.memref_squeeze %dma_start3A_267 : memref<1x128x384xf32, #tpu.memory_space<vmem>> -> memref<128x384xf32, #tpu.memory_space<vmem>>
          %dma_start3A_269 = arith.constant 0 : i32
          %dma_start3A_270 = arith.constant 0 : i32
          %dma_start3A_271 = tpu.memref_slice %run_scoped3A[%rem3A_195, %dma_start3A_269, %dma_start3A_270] : memref<2x1x128xi32, #tpu.memory_space<vmem>> -> memref<1x1x128xi32, #tpu.memory_space<vmem>>
          %dma_start3A_272 = tpu.memref_squeeze %dma_start3A_271 : memref<1x1x128xi32, #tpu.memory_space<vmem>> -> memref<1x128xi32, #tpu.memory_space<vmem>>
          %dma_start3A_273 = arith.constant 0 : i32
          %dma_start3A_274 = tpu.memref_slice %dma_start3A_272[%run_scoped3A_198, %dma_start3A_273] : memref<1x128xi32, #tpu.memory_space<vmem>> -> memref<1x128xi32, #tpu.memory_space<vmem>>
          %dma_start3A_275 = tpu.memref_squeeze %dma_start3A_274 : memref<1x128xi32, #tpu.memory_space<vmem>> -> memref<128xi32, #tpu.memory_space<vmem>>
          %dma_start3A_276 = arith.constant 0 : i32
          %dma_start3A_277 = arith.constant 0 : i32
          %dma_start3A_278 = tpu.memref_slice %arg2[%dma_start3A_276, %dma_start3A_277] : memref<100514x384xf32, #tpu.memory_space<hbm>> -> memref<100514x384xf32, #tpu.memory_space<hbm>>
          tpu.enqueue_indirect_dma source(%dma_start3A_278 : memref<100514x384xf32, #tpu.memory_space<hbm>>) target(%dma_start3A_268 : memref<128x384xf32, #tpu.memory_space<vmem>>) offsets(%dma_start3A_275 : memref<128xi32, #tpu.memory_space<vmem>>) semaphore(%run_scoped3A_264 : memref<!tpu.dma_semaphore, #tpu.memory_space<semaphore_mem>>)
          %dma_wait3A_279 = arith.constant 0 : i32
          %dma_wait3A_280 = arith.constant 0 : i32
          %dma_wait3A_281 = tpu.memref_slice %run_scoped3A_8[%rem3A_197, %dma_wait3A_279, %dma_wait3A_280] : memref<2x128x384xf32, #tpu.memory_space<vmem>> -> memref<1x128x384xf32, #tpu.memory_space<vmem>>
          %dma_wait3A_282 = tpu.memref_squeeze %dma_wait3A_281 : memref<1x128x384xf32, #tpu.memory_space<vmem>> -> memref<128x384xf32, #tpu.memory_space<vmem>>
          %dma_wait3A_283 = arith.constant 0 : i32
          %dma_wait3A_284 = arith.constant 0 : i32
          %dma_wait3A_285 = tpu.memref_slice %run_scoped3A[%rem3A_195, %dma_wait3A_283, %dma_wait3A_284] : memref<2x1x128xi32, #tpu.memory_space<vmem>> -> memref<1x1x128xi32, #tpu.memory_space<vmem>>
          %dma_wait3A_286 = tpu.memref_squeeze %dma_wait3A_285 : memref<1x1x128xi32, #tpu.memory_space<vmem>> -> memref<1x128xi32, #tpu.memory_space<vmem>>
          %dma_wait3A_287 = arith.constant 0 : i32
          %dma_wait3A_288 = tpu.memref_slice %dma_wait3A_286[%run_scoped3A_198, %dma_wait3A_287] : memref<1x128xi32, #tpu.memory_space<vmem>> -> memref<1x128xi32, #tpu.memory_space<vmem>>
          %dma_wait3A_289 = tpu.memref_squeeze %dma_wait3A_288 : memref<1x128xi32, #tpu.memory_space<vmem>> -> memref<128xi32, #tpu.memory_space<vmem>>
          %dma_wait3A_290 = arith.constant 0 : i32
          %dma_wait3A_291 = arith.constant 0 : i32
          %dma_wait3A_292 = tpu.memref_slice %arg2[%dma_wait3A_290, %dma_wait3A_291] : memref<100514x384xf32, #tpu.memory_space<hbm>> -> memref<100514x384xf32, #tpu.memory_space<hbm>>
          tpu.wait_indirect_dma semaphore(%run_scoped3A_264 : memref<!tpu.dma_semaphore, #tpu.memory_space<semaphore_mem>>) src(%dma_wait3A_292 : memref<100514x384xf32, #tpu.memory_space<hbm>>) dst(%dma_wait3A_282 : memref<128x384xf32, #tpu.memory_space<vmem>>)
          tpu.yield
        }) : () -> ()
        "tpu.trace_stop"() : () -> ()
        %ne3A_199 = arith.cmpi ne, %add3A_131, %add3A_149 : i32
        %or3A_200 = arith.constant false
        %or3A_201 = arith.ori %or3A_200, %ne3A_199 : i1
        %or3A_202 = arith.ori %or3A_201, %eq3A_130 : i1
        %convert_element_type3A_203 = arith.extui %or3A_202 : i1 to i32
        %cond3A_204 = arith.constant 0 : i32
        %cond3A_205 = arith.cmpi ne, %convert_element_type3A_203, %cond3A_204 : i32
        scf.if %cond3A_205 {
        } else {
        }
        %and3A_206 = arith.constant false
        %and3A_207 = arith.andi %or3A_202, %and3A_206 : i1
        %ne3A_208 = arith.cmpi ne, %add3A_131, %add3A_149 : i32
        %or3A_209 = arith.constant false
        %or3A_210 = arith.ori %or3A_209, %ne3A_208 : i1
        %or3A_211 = arith.constant false
        %or3A_212 = arith.ori %or3A_210, %or3A_211 : i1
        %or3A_213 = arith.ori %or3A_212, %eq3A_130 : i1
        %convert_element_type3A_214 = arith.extui %or3A_213 : i1 to i32
        %cond3A_215 = arith.constant 0 : i32
        %cond3A_216 = arith.cmpi ne, %convert_element_type3A_214, %cond3A_215 : i32
        scf.if %cond3A_216 {
          "tpu.trace_start"() <{level = 10 : i32, message = "ep_copy_out"}> : () -> ()
          %rem3A_264 = arith.constant 2 : i32
          %rem3A_265 = arith.remui %scan3A_124, %rem3A_264 : i32
          %mul3A_266 = arith.constant 128 : i32
          %mul3A_267 = arith.muli %mul3A_266, %add3A_131 : i32
          %dma_start3A_268 = arith.constant 0 : i32
          %dma_start3A_269 = arith.constant 0 : i32
          %dma_start3A_270 = tpu.memref_slice %run_scoped3A_8[%rem3A_265, %dma_start3A_268, %dma_start3A_269] : memref<2x128x384xf32, #tpu.memory_space<vmem>> -> memref<1x128x384xf32, #tpu.memory_space<vmem>>
          %dma_start3A_271 = tpu.memref_squeeze %dma_start3A_270 : memref<1x128x384xf32, #tpu.memory_space<vmem>> -> memref<128x384xf32, #tpu.memory_space<vmem>>
          %dma_start3A_272 = arith.constant 0 : i32
          %dma_start3A_273 = tpu.memref_slice %arg4[%mul3A_267, %dma_start3A_272] : memref<8192x384xf32, #tpu.memory_space<hbm>> -> memref<128x384xf32, #tpu.memory_space<hbm>>
          %dma_start3A_274 = tpu.memref_slice %run_scoped3A_9[%rem3A_265] : memref<2x!tpu.dma_semaphore, #tpu.memory_space<semaphore_mem>> -> memref<1x!tpu.dma_semaphore, #tpu.memory_space<semaphore_mem>>
          %dma_start3A_275 = tpu.memref_squeeze %dma_start3A_274 : memref<1x!tpu.dma_semaphore, #tpu.memory_space<semaphore_mem>> -> memref<!tpu.dma_semaphore, #tpu.memory_space<semaphore_mem>>
          %dma_start3A_276 = arith.constant 0 : i32
          %dma_start3A_277 = tpu.memref_slice %arg4[%mul3A_267, %dma_start3A_276] : memref<8192x384xf32, #tpu.memory_space<hbm>> -> memref<128x384xf32, #tpu.memory_space<hbm>>
          %dma_start3A_278 = arith.constant 0 : i32
          %dma_start3A_279 = arith.constant 0 : i32
          %dma_start3A_280 = tpu.memref_slice %run_scoped3A_8[%rem3A_265, %dma_start3A_278, %dma_start3A_279] : memref<2x128x384xf32, #tpu.memory_space<vmem>> -> memref<1x128x384xf32, #tpu.memory_space<vmem>>
          %dma_start3A_281 = tpu.memref_squeeze %dma_start3A_280 : memref<1x128x384xf32, #tpu.memory_space<vmem>> -> memref<128x384xf32, #tpu.memory_space<vmem>>
          tpu.enqueue_dma source(%dma_start3A_281 : memref<128x384xf32, #tpu.memory_space<vmem>>) target(%dma_start3A_277 : memref<128x384xf32, #tpu.memory_space<hbm>>) target_semaphore(%dma_start3A_275 : memref<!tpu.dma_semaphore, #tpu.memory_space<semaphore_mem>>)
          "tpu.trace_stop"() : () -> ()
        } else {
        }
        %and3A_217 = arith.constant true
        %and3A_218 = arith.andi %or3A_213, %and3A_217 : i1
        %add3A_219 = arith.constant 1 : i32
        %add3A_220 = arith.addi %scan3A_124, %add3A_219 : i32
        %select_n3A_221 = arith.select %and3A_218, %add3A_220, %scan3A_124 : i32
        %ne3A_222 = arith.cmpi ne, %add3A_131, %add3A_140 : i32
        %or3A_223 = arith.constant false
        %or3A_224 = arith.ori %or3A_223, %ne3A_222 : i1
        %not3A_225 = arith.constant true
        %not3A_226 = arith.xori %eq3A_128, %not3A_225 : i1
        %and3A_227 = arith.andi %or3A_224, %not3A_226 : i1
        %convert_element_type3A_228 = arith.extui %and3A_227 : i1 to i32
        %cond3A_229 = arith.constant 0 : i32
        %cond3A_230 = arith.cmpi ne, %convert_element_type3A_228, %cond3A_229 : i32
        scf.if %cond3A_230 {
        } else {
        }
        %and3A_231 = arith.constant false
        %and3A_232 = arith.andi %and3A_227, %and3A_231 : i1
        %ne3A_233 = arith.cmpi ne, %add3A_131, %add3A_140 : i32
        %or3A_234 = arith.constant false
        %or3A_235 = arith.ori %or3A_234, %ne3A_233 : i1
        %or3A_236 = arith.constant false
        %or3A_237 = arith.ori %or3A_235, %or3A_236 : i1
        %not3A_238 = arith.constant true
        %not3A_239 = arith.xori %eq3A_128, %not3A_238 : i1
        %and3A_240 = arith.andi %or3A_237, %not3A_239 : i1
        %convert_element_type3A_241 = arith.extui %and3A_240 : i1 to i32
        %cond3A_242 = arith.constant 0 : i32
        %cond3A_243 = arith.cmpi ne, %convert_element_type3A_241, %cond3A_242 : i32
        scf.if %cond3A_243 {
          "tpu.trace_start"() <{level = 10 : i32, message = "ep_wait_out"}> : () -> ()
          %rem3A_264 = arith.constant 2 : i32
          %rem3A_265 = arith.remui %scan3A_125, %rem3A_264 : i32
          %mul3A_266 = arith.constant 128 : i32
          %mul3A_267 = arith.muli %mul3A_266, %add3A_140 : i32
          %dma_wait3A_268 = arith.constant 0 : i32
          %dma_wait3A_269 = arith.constant 0 : i32
          %dma_wait3A_270 = tpu.memref_slice %run_scoped3A_8[%rem3A_265, %dma_wait3A_268, %dma_wait3A_269] : memref<2x128x384xf32, #tpu.memory_space<vmem>> -> memref<1x128x384xf32, #tpu.memory_space<vmem>>
          %dma_wait3A_271 = tpu.memref_squeeze %dma_wait3A_270 : memref<1x128x384xf32, #tpu.memory_space<vmem>> -> memref<128x384xf32, #tpu.memory_space<vmem>>
          %dma_wait3A_272 = arith.constant 0 : i32
          %dma_wait3A_273 = tpu.memref_slice %arg4[%mul3A_267, %dma_wait3A_272] : memref<8192x384xf32, #tpu.memory_space<hbm>> -> memref<128x384xf32, #tpu.memory_space<hbm>>
          %dma_wait3A_274 = tpu.memref_slice %run_scoped3A_9[%rem3A_265] : memref<2x!tpu.dma_semaphore, #tpu.memory_space<semaphore_mem>> -> memref<1x!tpu.dma_semaphore, #tpu.memory_space<semaphore_mem>>
          %dma_wait3A_275 = tpu.memref_squeeze %dma_wait3A_274 : memref<1x!tpu.dma_semaphore, #tpu.memory_space<semaphore_mem>> -> memref<!tpu.dma_semaphore, #tpu.memory_space<semaphore_mem>>
          %dma_wait3A_276 = arith.constant 0 : i32
          %dma_wait3A_277 = tpu.memref_slice %arg4[%mul3A_267, %dma_wait3A_276] : memref<8192x384xf32, #tpu.memory_space<hbm>> -> memref<128x384xf32, #tpu.memory_space<hbm>>
          %dma_wait3A_278 = arith.constant 0 : i32
          %dma_wait3A_279 = arith.constant 0 : i32
          %dma_wait3A_280 = tpu.memref_slice %run_scoped3A_8[%rem3A_265, %dma_wait3A_278, %dma_wait3A_279] : memref<2x128x384xf32, #tpu.memory_space<vmem>> -> memref<1x128x384xf32, #tpu.memory_space<vmem>>
          %dma_wait3A_281 = tpu.memref_squeeze %dma_wait3A_280 : memref<1x128x384xf32, #tpu.memory_space<vmem>> -> memref<128x384xf32, #tpu.memory_space<vmem>>
          tpu.wait_dma2 semaphore(%dma_wait3A_275 : memref<!tpu.dma_semaphore, #tpu.memory_space<semaphore_mem>>) src(%dma_wait3A_281 : memref<128x384xf32, #tpu.memory_space<vmem>>) dst(%dma_wait3A_277 : memref<128x384xf32, #tpu.memory_space<hbm>>)
          "tpu.trace_stop"() : () -> ()
        } else {
        }
        %and3A_244 = arith.constant true
        %and3A_245 = arith.andi %and3A_240, %and3A_244 : i1
        %add3A_246 = arith.constant 1 : i32
        %add3A_247 = arith.addi %scan3A_125, %add3A_246 : i32
        %select_n3A_248 = arith.select %and3A_245, %add3A_247, %scan3A_125 : i32
        %ne3A_249 = arith.cmpi ne, %add3A_131, %add3A_149 : i32
        %or3A_250 = arith.constant false
        %or3A_251 = arith.ori %or3A_250, %ne3A_249 : i1
        %or3A_252 = arith.ori %or3A_251, %eq3A_130 : i1
        %add3A_253 = arith.constant 1 : i32
        %add3A_254 = arith.addi %scan3A_123, %add3A_253 : i32
        %select_n3A_255 = arith.select %or3A_252, %add3A_254, %scan3A_123 : i32
        %add3A_256 = arith.constant 1 : i32
        %add3A_257 = arith.addi %scan3A_126, %add3A_256 : i32
        %select_n3A_258 = arith.constant true
        %select_n3A_259 = arith.select %select_n3A_258, %add3A_257, %scan3A_126 : i32
        %eq3A_260 = arith.constant 2 : i32
        %eq3A_261 = arith.cmpi eq, %select_n3A_259, %eq3A_260 : i32
        %select_n3A_262 = arith.constant 0 : i32
        %select_n3A_263 = arith.select %eq3A_261, %select_n3A_262, %select_n3A_259 : i32
        scf.yield %select_n3A_167, %select_n3A_255, %select_n3A_221, %select_n3A_248, %select_n3A_263 : i32, i32, i32, i32, i32
      }
      %scan3A_68 = arith.constant 2 : i32
      %sub3A = arith.constant 1 : i32
      %sub3A_69 = arith.subi %scan3A_67#4, %sub3A : i32
      %select_n3A_70 = arith.constant true
      %select_n3A_71 = arith.select %select_n3A_70, %sub3A_69, %scan3A_67#4 : i32
      %eq3A_72 = arith.constant -1 : i32
      %eq3A_73 = arith.cmpi eq, %select_n3A_71, %eq3A_72 : i32
      %select_n3A_74 = arith.constant 1 : i32
      %select_n3A_75 = arith.select %eq3A_73, %select_n3A_74, %select_n3A_71 : i32
      %add3A_76 = arith.addi %select_n3A_75, %mul3A_6 : i32
      %sub3A_77 = arith.constant 1 : i32
      %sub3A_78 = arith.subi %select_n3A_75, %sub3A_77 : i32
      %select_n3A_79 = arith.constant true
      %select_n3A_80 = arith.select %select_n3A_79, %sub3A_78, %select_n3A_75 : i32
      %eq3A_81 = arith.constant -1 : i32
      %eq3A_82 = arith.cmpi eq, %select_n3A_80, %eq3A_81 : i32
      %select_n3A_83 = arith.constant 1 : i32
      %select_n3A_84 = arith.select %eq3A_82, %select_n3A_83, %select_n3A_80 : i32
      %add3A_85 = arith.addi %select_n3A_84, %mul3A_6 : i32
      %add3A_86 = arith.constant 1 : i32
      %add3A_87 = arith.addi %select_n3A_75, %add3A_86 : i32
      %select_n3A_88 = arith.constant true
      %select_n3A_89 = arith.select %select_n3A_88, %add3A_87, %select_n3A_75 : i32
      %eq3A_90 = arith.constant 2 : i32
      %eq3A_91 = arith.cmpi eq, %select_n3A_89, %eq3A_90 : i32
      %select_n3A_92 = arith.constant 0 : i32
      %select_n3A_93 = arith.select %eq3A_91, %select_n3A_92, %select_n3A_89 : i32
      %add3A_94 = arith.addi %select_n3A_93, %mul3A_6 : i32
      %add3A_95 = arith.constant 1 : i32
      %add3A_96 = arith.addi %select_n3A_93, %add3A_95 : i32
      %select_n3A_97 = arith.constant true
      %select_n3A_98 = arith.select %select_n3A_97, %add3A_96, %select_n3A_93 : i32
      %eq3A_99 = arith.constant 2 : i32
      %eq3A_100 = arith.cmpi eq, %select_n3A_98, %eq3A_99 : i32
      %select_n3A_101 = arith.constant 0 : i32
      %select_n3A_102 = arith.select %eq3A_100, %select_n3A_101, %select_n3A_98 : i32
      %add3A_103 = arith.addi %select_n3A_102, %mul3A_6 : i32
      "tpu.trace_start"() <{level = 10 : i32, message = "ep_finalize"}> : () -> ()
      %rem3A_104 = arith.constant 2 : i32
      %rem3A_105 = arith.remui %scan3A_67#3, %rem3A_104 : i32
      %mul3A_106 = arith.constant 128 : i32
      %mul3A_107 = arith.muli %mul3A_106, %add3A_76 : i32
      %dma_wait3A = arith.constant 0 : i32
      %dma_wait3A_108 = arith.constant 0 : i32
      %dma_wait3A_109 = tpu.memref_slice %run_scoped3A_8[%rem3A_105, %dma_wait3A, %dma_wait3A_108] : memref<2x128x384xf32, #tpu.memory_space<vmem>> -> memref<1x128x384xf32, #tpu.memory_space<vmem>>
      %dma_wait3A_110 = tpu.memref_squeeze %dma_wait3A_109 : memref<1x128x384xf32, #tpu.memory_space<vmem>> -> memref<128x384xf32, #tpu.memory_space<vmem>>
      %dma_wait3A_111 = arith.constant 0 : i32
      %dma_wait3A_112 = tpu.memref_slice %arg4[%mul3A_107, %dma_wait3A_111] : memref<8192x384xf32, #tpu.memory_space<hbm>> -> memref<128x384xf32, #tpu.memory_space<hbm>>
      %dma_wait3A_113 = tpu.memref_slice %run_scoped3A_9[%rem3A_105] : memref<2x!tpu.dma_semaphore, #tpu.memory_space<semaphore_mem>> -> memref<1x!tpu.dma_semaphore, #tpu.memory_space<semaphore_mem>>
      %dma_wait3A_114 = tpu.memref_squeeze %dma_wait3A_113 : memref<1x!tpu.dma_semaphore, #tpu.memory_space<semaphore_mem>> -> memref<!tpu.dma_semaphore, #tpu.memory_space<semaphore_mem>>
      %dma_wait3A_115 = arith.constant 0 : i32
      %dma_wait3A_116 = tpu.memref_slice %arg4[%mul3A_107, %dma_wait3A_115] : memref<8192x384xf32, #tpu.memory_space<hbm>> -> memref<128x384xf32, #tpu.memory_space<hbm>>
      %dma_wait3A_117 = arith.constant 0 : i32
      %dma_wait3A_118 = arith.constant 0 : i32
      %dma_wait3A_119 = tpu.memref_slice %run_scoped3A_8[%rem3A_105, %dma_wait3A_117, %dma_wait3A_118] : memref<2x128x384xf32, #tpu.memory_space<vmem>> -> memref<1x128x384xf32, #tpu.memory_space<vmem>>
      %dma_wait3A_120 = tpu.memref_squeeze %dma_wait3A_119 : memref<1x128x384xf32, #tpu.memory_space<vmem>> -> memref<128x384xf32, #tpu.memory_space<vmem>>
      tpu.wait_dma2 semaphore(%dma_wait3A_114 : memref<!tpu.dma_semaphore, #tpu.memory_space<semaphore_mem>>) src(%dma_wait3A_120 : memref<128x384xf32, #tpu.memory_space<vmem>>) dst(%dma_wait3A_116 : memref<128x384xf32, #tpu.memory_space<hbm>>)
      "tpu.trace_stop"() : () -> ()
      tpu.yield
    }) : () -> ()
    return
  }
}

module {
  func.func @main(%arg0: i32, %arg1: i32, %arg2: i32, %arg3: i32, %arg4: memref<1x1x1024x1024xf32, #tpu.memory_space<vmem>>, %arg5: memref<1x1x1024x64xf32, #tpu.memory_space<vmem>>, %arg6: memref<1x1x1024x64xf32, #tpu.memory_space<vmem>>, %arg7: memref<1x1x1024x1xf32, #tpu.memory_space<vmem>>, %arg8: memref<1x1x1024x1xf32, #tpu.memory_space<vmem>>) attributes {dimension_semantics = [#tpu.dimension_semantics<parallel>, #tpu.dimension_semantics<parallel>, #tpu.dimension_semantics<parallel>, #tpu.dimension_semantics<arbitrary>], iteration_bounds = array<i64: 2, 12, 2, 2>, scratch_operands = 2 : i64, window_params = [{transform_indices = @qk_fn, window_bounds = array<i64: 1, 1, 1024, 1024>}, {transform_indices = @v_fn, window_bounds = array<i64: 1, 1, 1024, 64>}, {transform_indices = @oi_fn, window_bounds = array<i64: 1, 1, 1024, 64>}]} {
    %c0 = arith.constant 0 : index
    %c0_i32 = arith.constant 0 : i32
    %0 = arith.cmpi eq, %c0_i32, %arg3 : i32
    scf.if %0 {
      %cst_3 = arith.constant dense<0.000000e+00> : vector<1x1x1024x64xf32>
      vector.store %cst_3, %arg6[%c0, %c0, %c0, %c0] : memref<1x1x1024x64xf32, #tpu.memory_space<vmem>>, vector<1x1x1024x64xf32>
      %cst_4 = arith.constant dense<0xFF800000> : vector<1x1x1024x1xf32>
      vector.store %cst_4, %arg7[%c0, %c0, %c0, %c0] : memref<1x1x1024x1xf32, #tpu.memory_space<vmem>>, vector<1x1x1024x1xf32>
      %cst_5 = arith.constant dense<0.000000e+00> : vector<1x1x1024x1xf32>
      vector.store %cst_5, %arg8[%c0, %c0, %c0, %c0] : memref<1x1x1024x1xf32, #tpu.memory_space<vmem>>, vector<1x1x1024x1xf32>
    }
    %1 = vector.load %arg4[%c0, %c0, %c0, %c0] : memref<1x1x1024x1024xf32, #tpu.memory_space<vmem>>, vector<1x1x1024x1024xf32>
    %cst = arith.constant dense<0xFF800000> : vector<1x1x1024xf32>
    %2 = vector.multi_reduction <maximumf>, %1, %cst [3] : vector<1x1x1024x1024xf32> to vector<1x1x1024xf32>
    %3 = vector.shape_cast %2 : vector<1x1x1024xf32> to vector<1x1x1024x1xf32>
    %4 = vector.load %arg7[%c0, %c0, %c0, %c0] : memref<1x1x1024x1xf32, #tpu.memory_space<vmem>>, vector<1x1x1024x1xf32>
    %5 = arith.maximumf %4, %3 : vector<1x1x1024x1xf32>
    %cst_0 = arith.constant dense<0.000000e+00> : vector<1x1x1024x1xf32>
    %6 = arith.cmpf oeq, %4, %5 : vector<1x1x1024x1xf32>
    %7 = arith.subf %4, %5 : vector<1x1x1024x1xf32>
    %8 = arith.select %6, %cst_0, %7 : vector<1x1x1024x1xi1>, vector<1x1x1024x1xf32>
    %9 = vector.broadcast %5 : vector<1x1x1024x1xf32> to vector<1x1x1024x1024xf32>
    %10 = arith.subf %1, %9 : vector<1x1x1024x1024xf32>
    %11 = math.exp %10 : vector<1x1x1024x1024xf32>
    %cst_1 = arith.constant dense<0.000000e+00> : vector<1x1x1024xf32>
    %12 = vector.multi_reduction <add>, %11, %cst_1 [3] : vector<1x1x1024x1024xf32> to vector<1x1x1024xf32>
    %13 = vector.shape_cast %12 : vector<1x1x1024xf32> to vector<1x1x1024x1xf32>
    %14 = vector.load %arg8[%c0, %c0, %c0, %c0] : memref<1x1x1024x1xf32, #tpu.memory_space<vmem>>, vector<1x1x1024x1xf32>
    %15 = math.exp %8 : vector<1x1x1024x1xf32>
    %16 = arith.mulf %15, %14 : vector<1x1x1024x1xf32>
    %17 = arith.addf %16, %13 : vector<1x1x1024x1xf32>
    %18 = vector.load %arg6[%c0, %c0, %c0, %c0] : memref<1x1x1024x64xf32, #tpu.memory_space<vmem>>, vector<1x1x1024x64xf32>
    %19 = math.exp %8 : vector<1x1x1024x1xf32>
    %20 = arith.mulf %19, %14 : vector<1x1x1024x1xf32>
    %21 = vector.broadcast %20 : vector<1x1x1024x1xf32> to vector<1x1x1024x64xf32>
    %22 = arith.mulf %21, %18 : vector<1x1x1024x64xf32>
    %23 = vector.load %arg5[%c0, %c0, %c0, %c0] : memref<1x1x1024x64xf32, #tpu.memory_space<vmem>>, vector<1x1x1024x64xf32>
    %24 = vector.shape_cast %23 : vector<1x1x1024x64xf32> to vector<1024x64xf32>
    %25 = vector.shape_cast %11 : vector<1x1x1024x1024xf32> to vector<1024x1024xf32>
    %26 = vector.shape_cast %22 : vector<1x1x1024x64xf32> to vector<1024x64xf32>
    %27 = tpu.matmul %25, %24, %26 {dimension_numbers = #tpu.dot_dimension_numbers<[1], [0], [0], [1], [0, 0, 1, 1], [], []>, precision = #tpu.contract_precision<bf16>, transpose_lhs_hint = false} : vector<1024x1024xf32>, vector<1024x64xf32>, vector<1024x64xf32> -> vector<1024x64xf32>
    %28 = vector.shape_cast %27 : vector<1024x64xf32> to vector<1x1x1024x64xf32>
    %cst_2 = arith.constant dense<1.000000e+00> : vector<1x1x1024x1xf32>
    %29 = arith.divf %cst_2, %17 : vector<1x1x1024x1xf32>
    %30 = vector.broadcast %29 : vector<1x1x1024x1xf32> to vector<1x1x1024x64xf32>
    %31 = arith.mulf %28, %30 : vector<1x1x1024x64xf32>
    %32 = vector.shape_cast %31 : vector<1x1x1024x64xf32> to vector<1x1x1024x64xf32>
    vector.store %32, %arg6[%c0, %c0, %c0, %c0] : memref<1x1x1024x64xf32, #tpu.memory_space<vmem>>, vector<1x1x1024x64xf32>
    vector.store %5, %arg7[%c0, %c0, %c0, %c0] : memref<1x1x1024x1xf32, #tpu.memory_space<vmem>>, vector<1x1x1024x1xf32>
    vector.store %17, %arg8[%c0, %c0, %c0, %c0] : memref<1x1x1024x1xf32, #tpu.memory_space<vmem>>, vector<1x1x1024x1xf32>
    return
  }
  func.func @qk_fn(%arg0: i32, %arg1: i32, %arg2: i32, %arg3: i32) -> (i32, i32, i32, i32) {
    return %arg0, %arg1, %arg2, %arg3 : i32, i32, i32, i32
  }
  func.func @v_fn(%arg0: i32, %arg1: i32, %arg2: i32, %arg3: i32) -> (i32, i32, i32, i32) {
    %c0_i32 = arith.constant 0 : i32
    return %arg0, %arg1, %arg3, %c0_i32 : i32, i32, i32, i32
  }
  func.func @oi_fn(%arg0: i32, %arg1: i32, %arg2: i32, %arg3: i32) -> (i32, i32, i32, i32) {
    %c0_i32 = arith.constant 0 : i32
    return %arg0, %arg1, %arg2, %c0_i32 : i32, i32, i32, i32
  }
}

module attributes {stable_mosaic.version = 14 : i64} {
  func.func @_dec1_kernel(%arg0: i32, %arg1: memref<512x768xf32, #tpu.memory_space<vmem>>, %arg2: memref<512x768xf32, #tpu.memory_space<vmem>>, %arg3: memref<768x768xf32, #tpu.memory_space<vmem>>, %arg4: memref<1x768xf32, #tpu.memory_space<vmem>>, %arg5: memref<512x768xf32, #tpu.memory_space<vmem>>, %arg6: memref<1x1xf32, #tpu.memory_space<vmem>>) attributes {dimension_semantics = [#tpu.dimension_semantics<arbitrary>], iteration_bounds = array<i64: 8>, scalar_prefetch = 0 : i64, scratch_operands = 0 : i64, tpu.core_type = #tpu.core_type<tc>, window_params = [{transform_indices = @transform_0, window_bounds = array<i64: 512, 768>}, {transform_indices = @transform_1, window_bounds = array<i64: 512, 768>}, {pipeline_mode = #tpu.pipeline_mode<synchronous>, transform_indices = @transform_2, window_bounds = array<i64: 768, 768>}, {pipeline_mode = #tpu.pipeline_mode<synchronous>, transform_indices = @transform_3, window_bounds = array<i64: 1, 768>}, {transform_indices = @transform_4, window_bounds = array<i64: 512, 768>}, {pipeline_mode = #tpu.pipeline_mode<synchronous>, transform_indices = @transform_5, window_bounds = array<i64: 1, 1>}]} {
    %get3A = arith.constant 0 : index
    %get3A_0 = arith.constant 0 : index
    %get3A_1 = vector.load %arg1[%get3A, %get3A_0] : memref<512x768xf32, #tpu.memory_space<vmem>>, vector<512x768xf32>
    %get3A_2 = arith.constant 0 : index
    %get3A_3 = arith.constant 0 : index
    %get3A_4 = vector.load %arg3[%get3A_2, %get3A_3] : memref<768x768xf32, #tpu.memory_space<vmem>>, vector<768x768xf32>
    %convert_element_type3A = arith.truncf %get3A_1 : vector<512x768xf32> to vector<512x768xbf16>
    %convert_element_type3A_5 = arith.truncf %get3A_4 : vector<768x768xf32> to vector<768x768xbf16>
    %dot_general3A = arith.constant dense<0.000000e+00> : vector<512x768xf32>
    %dot_general3A_6 = tpu.matmul %convert_element_type3A, %convert_element_type3A_5, %dot_general3A {dimension_numbers = #tpu.dot_dimension_numbers<[1], [1], [0], [0], [0, 0, 1, 0], [], []>, transpose_lhs_hint = false} : vector<512x768xbf16>, vector<768x768xbf16>, vector<512x768xf32> -> vector<512x768xf32>
    %get3A_7 = arith.constant 0 : index
    %get3A_8 = arith.constant 0 : index
    %get3A_9 = vector.load %arg4[%get3A_7, %get3A_8] : memref<1x768xf32, #tpu.memory_space<vmem>>, vector<1x768xf32>
    %add3A = vector.broadcast %get3A_9 : vector<1x768xf32> to vector<512x768xf32>
    %add3A_10 = arith.addf %dot_general3A_6, %add3A : vector<512x768xf32>
    %mul3A = arith.constant 5.000000e-01 : f32
    %mul3A_11 = vector.broadcast %mul3A : f32 to vector<512x768xf32>
    %mul3A_12 = arith.mulf %mul3A_11, %add3A_10 : vector<512x768xf32>
    %sqrt3A = arith.constant 2.000000e+00 : f32
    %sqrt3A_13 = math.sqrt %sqrt3A : f32
    %div3A = arith.constant 1.000000e+00 : f32
    %div3A_14 = arith.divf %div3A, %sqrt3A_13 : f32
    %mul3A_15 = vector.broadcast %div3A_14 : f32 to vector<512x768xf32>
    %mul3A_16 = arith.mulf %add3A_10, %mul3A_15 : vector<512x768xf32>
    %erf3A = math.erf %mul3A_16 : vector<512x768xf32>
    %add3A_17 = arith.constant 1.000000e+00 : f32
    %add3A_18 = vector.broadcast %add3A_17 : f32 to vector<512x768xf32>
    %add3A_19 = arith.addf %add3A_18, %erf3A : vector<512x768xf32>
    %mul3A_20 = arith.mulf %mul3A_12, %add3A_19 : vector<512x768xf32>
    %swap3A = arith.constant 0 : index
    %swap3A_21 = arith.constant 0 : index
    %swap3A_22 = vector.load %arg5[%swap3A, %swap3A_21] : memref<512x768xf32, #tpu.memory_space<vmem>>, vector<512x768xf32>
    tpu.vector_store %arg5[%swap3A, %swap3A_21], %mul3A_20 {strides = array<i32>} : memref<512x768xf32, #tpu.memory_space<vmem>>, vector<512x768xf32>,
    %get3A_23 = arith.constant 0 : index
    %get3A_24 = arith.constant 0 : index
    %get3A_25 = vector.load %arg1[%get3A_23, %get3A_24] : memref<512x768xf32, #tpu.memory_space<vmem>>, vector<512x768xf32>
    %get3A_26 = arith.constant 0 : index
    %get3A_27 = arith.constant 0 : index
    %get3A_28 = vector.load %arg2[%get3A_26, %get3A_27] : memref<512x768xf32, #tpu.memory_space<vmem>>, vector<512x768xf32>
    %sub3A = arith.subf %get3A_25, %get3A_28 : vector<512x768xf32>
    %mul3A_29 = arith.mulf %sub3A, %sub3A : vector<512x768xf32>
    %reduce_sum3A = vector.shape_cast %mul3A_29 : vector<512x768xf32> to vector<1x512x768xf32>
    %reduce_sum3A_30 = arith.constant dense<0.000000e+00> : vector<1xf32>
    %reduce_sum3A_31 = vector.multi_reduction <add>, %reduce_sum3A, %reduce_sum3A_30 [1, 2] : vector<1x512x768xf32> to vector<1xf32>
    %reduce_sum3A_32 = vector.shape_cast %reduce_sum3A_31 : vector<1xf32> to vector<1x1x1xf32>
    %reduce_sum3A_33 = vector.extract %reduce_sum3A_32[0, 0, 0] : f32 from vector<1x1x1xf32>
    %eq3A = arith.constant 0 : i32
    %eq3A_34 = arith.cmpi eq, %arg0, %eq3A : i32
    %convert_element_type3A_35 = arith.extui %eq3A_34 : i1 to i32
    %cond3A = arith.constant 0 : i32
    %cond3A_36 = arith.cmpi ne, %convert_element_type3A_35, %cond3A : i32
    scf.if %cond3A_36 {
      %broadcast_in_dim3A = arith.constant 0.000000e+00 : f32
      %broadcast_in_dim3A_45 = vector.broadcast %broadcast_in_dim3A : f32 to vector<1x1xf32>
      %swap3A_46 = arith.constant 0 : index
      %swap3A_47 = arith.constant 0 : index
      %swap3A_48 = vector.load %arg6[%swap3A_46, %swap3A_47] : memref<1x1xf32, #tpu.memory_space<vmem>>, vector<1x1xf32>
      tpu.vector_store %arg6[%swap3A_46, %swap3A_47], %broadcast_in_dim3A_45 {strides = array<i32>} : memref<1x1xf32, #tpu.memory_space<vmem>>, vector<1x1xf32>,
    } else {
    }
    %get3A_37 = arith.constant 0 : index
    %get3A_38 = arith.constant 0 : index
    %get3A_39 = vector.load %arg6[%get3A_37, %get3A_38] : memref<1x1xf32, #tpu.memory_space<vmem>>, vector<1x1xf32>
    %add3A_40 = vector.broadcast %reduce_sum3A_33 : f32 to vector<1x1xf32>
    %add3A_41 = arith.addf %get3A_39, %add3A_40 : vector<1x1xf32>
    %swap3A_42 = arith.constant 0 : index
    %swap3A_43 = arith.constant 0 : index
    %swap3A_44 = vector.load %arg6[%swap3A_42, %swap3A_43] : memref<1x1xf32, #tpu.memory_space<vmem>>, vector<1x1xf32>
    tpu.vector_store %arg6[%swap3A_42, %swap3A_43], %add3A_41 {strides = array<i32>} : memref<1x1xf32, #tpu.memory_space<vmem>>, vector<1x1xf32>,
    return
  }
  func.func @transform_0(%arg0: i32) -> (i32, i32) {
    %c0_i32 = arith.constant 0 : i32
    %c0_i32_0 = arith.constant 0 : i32
    return %arg0, %c0_i32 : i32, i32
  }
  func.func @transform_1(%arg0: i32) -> (i32, i32) {
    %c0_i32 = arith.constant 0 : i32
    %c0_i32_0 = arith.constant 0 : i32
    return %arg0, %c0_i32 : i32, i32
  }
  func.func @transform_2(%arg0: i32) -> (i32, i32) {
    %c0_i32 = arith.constant 0 : i32
    %c0_i32_0 = arith.constant 0 : i32
    %c0_i32_1 = arith.constant 0 : i32
    return %c0_i32, %c0_i32_0 : i32, i32
  }
  func.func @transform_3(%arg0: i32) -> (i32, i32) {
    %c0_i32 = arith.constant 0 : i32
    %c0_i32_0 = arith.constant 0 : i32
    %c0_i32_1 = arith.constant 0 : i32
    return %c0_i32, %c0_i32_0 : i32, i32
  }
  func.func @transform_4(%arg0: i32) -> (i32, i32) {
    %c0_i32 = arith.constant 0 : i32
    %c0_i32_0 = arith.constant 0 : i32
    return %arg0, %c0_i32 : i32, i32
  }
  func.func @transform_5(%arg0: i32) -> (i32, i32) {
    %c0_i32 = arith.constant 0 : i32
    %c0_i32_0 = arith.constant 0 : i32
    %c0_i32_1 = arith.constant 0 : i32
    return %c0_i32, %c0_i32_0 : i32, i32
  }
}

module attributes {stable_mosaic.version = 14 : i64} {
  func.func @_ce_kernel(%arg0: i32, %arg1: memref<4096x768xf32, #tpu.memory_space<vmem>>, %arg2: memref<512x768xf32, #tpu.memory_space<vmem>>, %arg3: memref<1x512xf32, #tpu.memory_space<vmem>>, %arg4: memref<4096x1xi32, #tpu.memory_space<vmem>>, %arg5: memref<4096x1xf32, #tpu.memory_space<vmem>>, %arg6: memref<4096x1xf32, #tpu.memory_space<vmem>>, %arg7: memref<4096x1xf32, #tpu.memory_space<vmem>>, %arg8: memref<4096x1xf32, #tpu.memory_space<vmem>>) attributes {dimension_semantics = [#tpu.dimension_semantics<arbitrary>], iteration_bounds = array<i64: 99>, scalar_prefetch = 0 : i64, scratch_operands = 3 : i64, tpu.core_type = #tpu.core_type<tc>, window_params = [{pipeline_mode = #tpu.pipeline_mode<synchronous>, transform_indices = @transform_0, window_bounds = array<i64: 4096, 768>}, {transform_indices = @transform_1, window_bounds = array<i64: 512, 768>}, {transform_indices = @transform_2, window_bounds = array<i64: 1, 512>}, {pipeline_mode = #tpu.pipeline_mode<synchronous>, transform_indices = @transform_3, window_bounds = array<i64: 4096, 1>}, {pipeline_mode = #tpu.pipeline_mode<synchronous>, transform_indices = @transform_4, window_bounds = array<i64: 4096, 1>}]} {
    %eq3A = arith.constant 0 : i32
    %eq3A_0 = arith.cmpi eq, %arg0, %eq3A : i32
    %convert_element_type3A = arith.extui %eq3A_0 : i1 to i32
    %cond3A = arith.constant 0 : i32
    %cond3A_1 = arith.cmpi ne, %convert_element_type3A, %cond3A : i32
    scf.if %cond3A_1 {
      %broadcast_in_dim3A_65 = arith.constant 0xFF800000 : f32
      %broadcast_in_dim3A_66 = vector.broadcast %broadcast_in_dim3A_65 : f32 to vector<4096x1xf32>
      %swap3A_67 = arith.constant 0 : index
      %swap3A_68 = arith.constant 0 : index
      %swap3A_69 = vector.load %arg6[%swap3A_67, %swap3A_68] : memref<4096x1xf32, #tpu.memory_space<vmem>>, vector<4096x1xf32>
      tpu.vector_store %arg6[%swap3A_67, %swap3A_68], %broadcast_in_dim3A_66 {strides = array<i32>} : memref<4096x1xf32, #tpu.memory_space<vmem>>, vector<4096x1xf32>,
      %broadcast_in_dim3A_70 = arith.constant 0.000000e+00 : f32
      %broadcast_in_dim3A_71 = vector.broadcast %broadcast_in_dim3A_70 : f32 to vector<4096x1xf32>
      %swap3A_72 = arith.constant 0 : index
      %swap3A_73 = arith.constant 0 : index
      %swap3A_74 = vector.load %arg7[%swap3A_72, %swap3A_73] : memref<4096x1xf32, #tpu.memory_space<vmem>>, vector<4096x1xf32>
      tpu.vector_store %arg7[%swap3A_72, %swap3A_73], %broadcast_in_dim3A_71 {strides = array<i32>} : memref<4096x1xf32, #tpu.memory_space<vmem>>, vector<4096x1xf32>,
      %broadcast_in_dim3A_75 = arith.constant 0.000000e+00 : f32
      %broadcast_in_dim3A_76 = vector.broadcast %broadcast_in_dim3A_75 : f32 to vector<4096x1xf32>
      %swap3A_77 = arith.constant 0 : index
      %swap3A_78 = arith.constant 0 : index
      %swap3A_79 = vector.load %arg8[%swap3A_77, %swap3A_78] : memref<4096x1xf32, #tpu.memory_space<vmem>>, vector<4096x1xf32>
      tpu.vector_store %arg8[%swap3A_77, %swap3A_78], %broadcast_in_dim3A_76 {strides = array<i32>} : memref<4096x1xf32, #tpu.memory_space<vmem>>, vector<4096x1xf32>,
    } else {
    }
    %get3A = arith.constant 0 : index
    %get3A_2 = arith.constant 0 : index
    %get3A_3 = vector.load %arg1[%get3A, %get3A_2] : memref<4096x768xf32, #tpu.memory_space<vmem>>, vector<4096x768xf32>
    %get3A_4 = arith.constant 0 : index
    %get3A_5 = arith.constant 0 : index
    %get3A_6 = vector.load %arg2[%get3A_4, %get3A_5] : memref<512x768xf32, #tpu.memory_space<vmem>>, vector<512x768xf32>
    %convert_element_type3A_7 = arith.truncf %get3A_3 : vector<4096x768xf32> to vector<4096x768xbf16>
    %convert_element_type3A_8 = arith.truncf %get3A_6 : vector<512x768xf32> to vector<512x768xbf16>
    %dot_general3A = arith.constant dense<0.000000e+00> : vector<4096x512xf32>
    %dot_general3A_9 = tpu.matmul %convert_element_type3A_7, %convert_element_type3A_8, %dot_general3A {dimension_numbers = #tpu.dot_dimension_numbers<[1], [1], [0], [0], [0, 0, 1, 0], [], []>, transpose_lhs_hint = false} : vector<4096x768xbf16>, vector<512x768xbf16>, vector<4096x512xf32> -> vector<4096x512xf32>
    %get3A_10 = arith.constant 0 : index
    %get3A_11 = arith.constant 0 : index
    %get3A_12 = vector.load %arg3[%get3A_10, %get3A_11] : memref<1x512xf32, #tpu.memory_space<vmem>>, vector<1x512xf32>
    %add3A = vector.broadcast %get3A_12 : vector<1x512xf32> to vector<4096x512xf32>
    %add3A_13 = arith.addf %dot_general3A_9, %add3A : vector<4096x512xf32>
    %mul3A = arith.constant 512 : i32
    %mul3A_14 = arith.muli %arg0, %mul3A : i32
    %iota3A = tpu.iota {dimensions = array<i32: 1>} : vector<1x512xi32>
    %add3A_15 = vector.broadcast %mul3A_14 : i32 to vector<1x512xi32>
    %add3A_16 = arith.addi %add3A_15, %iota3A : vector<1x512xi32>
    %lt3A = arith.constant 50257 : i32
    %lt3A_17 = vector.broadcast %lt3A : i32 to vector<1x512xi32>
    %lt3A_18 = arith.cmpi slt, %add3A_16, %lt3A_17 : vector<1x512xi32>
    %jit3A = arith.constant 0xFF800000 : f32
    %broadcast_in_dim3A = vector.shape_cast %lt3A_18 : vector<1x512xi1> to vector<1x512xi1>
    %broadcast_in_dim3A_19 = vector.broadcast %broadcast_in_dim3A : vector<1x512xi1> to vector<4096x512xi1>
    %broadcast_in_dim3A_20 = vector.broadcast %jit3A : f32 to vector<4096x512xf32>
    %select_n3A = arith.select %broadcast_in_dim3A_19, %add3A_13, %broadcast_in_dim3A_20 : vector<4096x512xi1>, vector<4096x512xf32>
    %get3A_21 = arith.constant 0 : index
    %get3A_22 = arith.constant 0 : index
    %get3A_23 = vector.load %arg6[%get3A_21, %get3A_22] : memref<4096x1xf32, #tpu.memory_space<vmem>>, vector<4096x1xf32>
    %reduce_max3A = arith.constant dense<0xFF800000> : vector<4096xf32>
    %reduce_max3A_24 = vector.multi_reduction <maximumf>, %select_n3A, %reduce_max3A [1] : vector<4096x512xf32> to vector<4096xf32>
    %broadcast_in_dim3A_25 = vector.shape_cast %reduce_max3A_24 : vector<4096xf32> to vector<4096x1xf32>
    %max3A = arith.maximumf %get3A_23, %broadcast_in_dim3A_25 : vector<4096x1xf32>
    %get3A_26 = arith.constant 0 : index
    %get3A_27 = arith.constant 0 : index
    %get3A_28 = vector.load %arg7[%get3A_26, %get3A_27] : memref<4096x1xf32, #tpu.memory_space<vmem>>, vector<4096x1xf32>
    %sub3A = arith.subf %get3A_23, %max3A : vector<4096x1xf32>
    %exp3A = math.exp %sub3A : vector<4096x1xf32>
    %mul3A_29 = arith.mulf %get3A_28, %exp3A : vector<4096x1xf32>
    %sub3A_30 = vector.broadcast %max3A : vector<4096x1xf32> to vector<4096x512xf32>
    %sub3A_31 = arith.subf %select_n3A, %sub3A_30 : vector<4096x512xf32>
    %exp3A_32 = math.exp %sub3A_31 : vector<4096x512xf32>
    %reduce_sum3A = arith.constant dense<0.000000e+00> : vector<4096xf32>
    %reduce_sum3A_33 = vector.multi_reduction <add>, %exp3A_32, %reduce_sum3A [1] : vector<4096x512xf32> to vector<4096xf32>
    %broadcast_in_dim3A_34 = vector.shape_cast %reduce_sum3A_33 : vector<4096xf32> to vector<4096x1xf32>
    %add3A_35 = arith.addf %mul3A_29, %broadcast_in_dim3A_34 : vector<4096x1xf32>
    %swap3A = arith.constant 0 : index
    %swap3A_36 = arith.constant 0 : index
    %swap3A_37 = vector.load %arg7[%swap3A, %swap3A_36] : memref<4096x1xf32, #tpu.memory_space<vmem>>, vector<4096x1xf32>
    tpu.vector_store %arg7[%swap3A, %swap3A_36], %add3A_35 {strides = array<i32>} : memref<4096x1xf32, #tpu.memory_space<vmem>>, vector<4096x1xf32>,
    %get3A_38 = arith.constant 0 : index
    %get3A_39 = arith.constant 0 : index
    %get3A_40 = vector.load %arg4[%get3A_38, %get3A_39] : memref<4096x1xi32, #tpu.memory_space<vmem>>, vector<4096x1xi32>
    %eq3A_41 = vector.broadcast %add3A_16 : vector<1x512xi32> to vector<4096x512xi32>
    %eq3A_42 = vector.broadcast %get3A_40 : vector<4096x1xi32> to vector<4096x512xi32>
    %eq3A_43 = arith.cmpi eq, %eq3A_41, %eq3A_42 : vector<4096x512xi32>
    %get3A_44 = arith.constant 0 : index
    %get3A_45 = arith.constant 0 : index
    %get3A_46 = vector.load %arg8[%get3A_44, %get3A_45] : memref<4096x1xf32, #tpu.memory_space<vmem>>, vector<4096x1xf32>
    %jit3A_47 = arith.constant 0.000000e+00 : f32
    %broadcast_in_dim3A_48 = vector.broadcast %jit3A_47 : f32 to vector<4096x512xf32>
    %select_n3A_49 = arith.select %eq3A_43, %select_n3A, %broadcast_in_dim3A_48 : vector<4096x512xi1>, vector<4096x512xf32>
    %reduce_sum3A_50 = arith.constant dense<0.000000e+00> : vector<4096xf32>
    %reduce_sum3A_51 = vector.multi_reduction <add>, %select_n3A_49, %reduce_sum3A_50 [1] : vector<4096x512xf32> to vector<4096xf32>
    %broadcast_in_dim3A_52 = vector.shape_cast %reduce_sum3A_51 : vector<4096xf32> to vector<4096x1xf32>
    %add3A_53 = arith.addf %get3A_46, %broadcast_in_dim3A_52 : vector<4096x1xf32>
    %swap3A_54 = arith.constant 0 : index
    %swap3A_55 = arith.constant 0 : index
    %swap3A_56 = vector.load %arg8[%swap3A_54, %swap3A_55] : memref<4096x1xf32, #tpu.memory_space<vmem>>, vector<4096x1xf32>
    tpu.vector_store %arg8[%swap3A_54, %swap3A_55], %add3A_53 {strides = array<i32>} : memref<4096x1xf32, #tpu.memory_space<vmem>>, vector<4096x1xf32>,
    %swap3A_57 = arith.constant 0 : index
    %swap3A_58 = arith.constant 0 : index
    %swap3A_59 = vector.load %arg6[%swap3A_57, %swap3A_58] : memref<4096x1xf32, #tpu.memory_space<vmem>>, vector<4096x1xf32>
    tpu.vector_store %arg6[%swap3A_57, %swap3A_58], %max3A {strides = array<i32>} : memref<4096x1xf32, #tpu.memory_space<vmem>>, vector<4096x1xf32>,
    %eq3A_60 = arith.constant 98 : i32
    %eq3A_61 = arith.cmpi eq, %arg0, %eq3A_60 : i32
    %convert_element_type3A_62 = arith.extui %eq3A_61 : i1 to i32
    %cond3A_63 = arith.constant 0 : i32
    %cond3A_64 = arith.cmpi ne, %convert_element_type3A_62, %cond3A_63 : i32
    scf.if %cond3A_64 {
      %get3A_65 = arith.constant 0 : index
      %get3A_66 = arith.constant 0 : index
      %get3A_67 = vector.load %arg8[%get3A_65, %get3A_66] : memref<4096x1xf32, #tpu.memory_space<vmem>>, vector<4096x1xf32>
      %get3A_68 = arith.constant 0 : index
      %get3A_69 = arith.constant 0 : index
      %get3A_70 = vector.load %arg6[%get3A_68, %get3A_69] : memref<4096x1xf32, #tpu.memory_space<vmem>>, vector<4096x1xf32>
      %sub3A_71 = arith.subf %get3A_67, %get3A_70 : vector<4096x1xf32>
      %get3A_72 = arith.constant 0 : index
      %get3A_73 = arith.constant 0 : index
      %get3A_74 = vector.load %arg7[%get3A_72, %get3A_73] : memref<4096x1xf32, #tpu.memory_space<vmem>>, vector<4096x1xf32>
      %log3A = math.log %get3A_74 : vector<4096x1xf32>
      %sub3A_75 = arith.subf %sub3A_71, %log3A : vector<4096x1xf32>
      %neg3A = arith.constant 0.000000e+00 : f32
      %neg3A_76 = vector.broadcast %neg3A : f32 to vector<4096x1xf32>
      %neg3A_77 = arith.subf %neg3A_76, %sub3A_75 : vector<4096x1xf32>
      %swap3A_78 = arith.constant 0 : index
      %swap3A_79 = arith.constant 0 : index
      %swap3A_80 = vector.load %arg5[%swap3A_78, %swap3A_79] : memref<4096x1xf32, #tpu.memory_space<vmem>>, vector<4096x1xf32>
      tpu.vector_store %arg5[%swap3A_78, %swap3A_79], %neg3A_77 {strides = array<i32>} : memref<4096x1xf32, #tpu.memory_space<vmem>>, vector<4096x1xf32>,
    } else {
    }
    return
  }
  func.func @transform_0(%arg0: i32) -> (i32, i32) {
    %c0_i32 = arith.constant 0 : i32
    %c0_i32_0 = arith.constant 0 : i32
    %c0_i32_1 = arith.constant 0 : i32
    return %c0_i32, %c0_i32_0 : i32, i32
  }
  func.func @transform_1(%arg0: i32) -> (i32, i32) {
    %c0_i32 = arith.constant 0 : i32
    %c0_i32_0 = arith.constant 0 : i32
    return %arg0, %c0_i32 : i32, i32
  }
  func.func @transform_2(%arg0: i32) -> (i32, i32) {
    %c0_i32 = arith.constant 0 : i32
    %c0_i32_0 = arith.constant 0 : i32
    return %c0_i32, %arg0 : i32, i32
  }
  func.func @transform_3(%arg0: i32) -> (i32, i32) {
    %c0_i32 = arith.constant 0 : i32
    %c0_i32_0 = arith.constant 0 : i32
    %c0_i32_1 = arith.constant 0 : i32
    return %c0_i32, %c0_i32_0 : i32, i32
  }
  func.func @transform_4(%arg0: i32) -> (i32, i32) {
    %c0_i32 = arith.constant 0 : i32
    %c0_i32_0 = arith.constant 0 : i32
    %c0_i32_1 = arith.constant 0 : i32
    return %c0_i32, %c0_i32_0 : i32, i32
  }
}

</mosaic_0001>

<sc_bundles>
// kernel: kernel.6.cloned.1.call-start
scs
__scs_entry_jumppad:
0x0: {  	(pc) =	sbr.rel $0x88, $3  }
0x1: {  	(tag) =	ssettag $0x0;
	lr =	simm.s32 $0x1  }
0x2: {  	[smem:$0x3F8C] =	sst lr;
	_ =	strace $0xD0000000  }
0x3: {  	_ = 	snop  }
0x4: {  	_ = 	snop  }
0x5: {  	_ = 	snop  }
0x6: {  	_ = 	snop  }
0x7: {  	_ = 	snop  }
__scs_overlays_trampoline_lowered:
0x8: {  	[smem:$0x3F9B] =	sst s0  }
0x9: {  	[smem:$0x3F9C] =	sst s1  }
0xa: {  	[smem:$0x3F9D] =	sst s2  }
0xb: {  	[smem:$0x3F9E] =	sst s3  }
0xc: {  	[smem:$0x3F9F] =	sst s4  }
0xd: {  	[smem:$0x3FA0] =	sst s5  }
0xe: {  	[smem:$0x3FA1] =	sst s6  }
0xf: {  	[smem:$0x3FA2] =	sst s7  }
0x10: {  	[smem:$0x3FA3] =	sst s8  }
0x11: {  	[smem:$0x3FA4] =	sst s9;
	s0 =	simm.s32 @!p0 $0x0  }
0x12: {  	s1 =	sld [smem:$0x3F8A];
	s0 =	simm.s32 @p0 $0x1  }
0x13: {  	[smem:$0x3FA5] =	sst s0;
	s0 =	simm.s32 @!p1 $0x0  }
0x14: {  	s2 =	sld [smem:$0x3F89];
	s0 =	simm.s32 @p1 $0x1  }
0x15: {  	[smem:$0x3FA6] =	sst s0;
	s0 =	simm.s32 @!p2 $0x0  }
0x16: {  	s3 =	sld [smem:$0x3FDB];
	s0 =	simm.s32 @p2 $0x1  }
0x17: {  	s4 =	simm.s32 $0x1BF5;
	[smem:$0x3FA8] =	sst s0  }
0x18: {  	s0 =	sld [smem:$0x3F8B];
	_ =	swait.ge [sflag:s4], $0x0  }
0x19: {  	s7 =	sld [smem:$0x3F8C]  }
0x1a: {  	s8 =	sadd.s32 $0xFFFFE003, lr  }
0x1b: {  	s9 =	sadd.s32 $0xFFFFFEF7, lr;
	s5 =	simm.s32 $0xFFFFFFFF;
	p2 =	slt.u32 s8, $0xFFFFF086  }
0x1c: {  	p1 =	slt.u32 s9, $0xF7A;
	s5 =	simm.s32 @!p2 $0x0  }
0x1d: {  	s5 =	simm.s32 @p1 $0x1;
	p0 =	seq.s32 s7, s2  }
0x1e: {  	s7 =	smul.u32 @!p0 $0xF7A, s2;
	p2 =	seq.s32 @!p0 s5, $0x0  }
0x1f: {  	s9 =	smul.u32 $0xF7A, s1;
	s8 =	simm.s32 @!p0 $0x1BF5;
	p2 =	por !p2, p0  }
0x20: {  	[sflag:s8] =	ssyncset.s32 @!p0 $0xFFFFF086;
	s6 =	sadd.s32 @!p0 s3, s7;
	s7 =	simm.s32 @!p0 $0x108  }
0x21: {  	s3 =	sadd.s32 s3, s9;
	s6 =	sadd.s32 @!p0 $0x88, s6;
	s7 =	simm.s32 @p2 $0x1082  }
0x22: {  	[simem:s7], [sflag:s8] =	dma.local @!p0 [hbm:s6], $0xF7A  }
0x23: {  	s9 =	sor.u32 $0xD0000000, s2;
	s6 =	simm.s32 $0x108;
	_ =	swait.ge @!p0 [sflag:s8], $0x0  }
0x24: {  	s3 =	sadd.s32 $0x88, s3;
	s6 =	simm.s32 @!p1 $0x1082;
	[sflag:s4] =	ssyncset.s32 $0xFFFFF086  }
0x25: {  	[simem:s6], [sflag:s4] =	dma.local [hbm:s3], $0xF7A  }
0x26: {  	[smem:$0x3F8C] =	sst s1;
	(tag) =	ssettag s2;
	_ =	strace s9  }
0x27: {  	s1 =	sld [smem:$0x3F9C]  }
0x28: {  	s2 =	sld [smem:$0x3F9D]  }
0x29: {  	s4 =	sld [smem:$0x3F9F]  }
0x2a: {  	p0 =	seq.s32 s5, $0x0;
	s5 =	sld [smem:$0x3FA0]  }
0x2b: {  	s6 =	sld [smem:$0x3FA1]  }
0x2c: {  	s7 =	sld [smem:$0x3FA2]  }
0x2d: {  	s3 =	simm.s32 $0x108;
	s8 =	sld [smem:$0x3FA3]  }
0x2e: {  	s3 =	simm.s32 @!p0 $0x1082;
	s9 =	sld [smem:$0x3FA4]  }
0x2f: {  	lr =	sadd.s32 s0, s3;
	s0 =	sld [smem:$0x3F9B]  }
0x30: {  	s3 =	sld [smem:$0x3F9E]  }
0x31: {  	[smem:$0x3FA7] =	sst s10  }
0x32: {  	s10 =	sld [smem:$0x3FA5];
	_ =	sdelay $0x3  }
0x33: {  	p0 =	seq.s32 s10, $0x1;
	s10 =	sld [smem:$0x3FA7];
	_ =	sdelay $0x3  }
0x34: {  	[smem:$0x3FA7] =	sst s10  }
0x35: {  	s10 =	sld [smem:$0x3FA6];
	_ =	sdelay $0x3  }
0x36: {  	p1 =	seq.s32 s10, $0x1;
	s10 =	sld [smem:$0x3FA7];
	_ =	sdelay $0x3  }
0x37: {  	[smem:$0x3FA7] =	sst s10  }
0x38: {  	s10 =	sld [smem:$0x3FA8]  }
0x39: {  	_ = 	snop;
	(pc) =	sbr.ind lr, $3  }
0x3a: {  	_ = 	snop  }
0x3b: {  	_ = 	snop  }
0x3c: {  	p2 =	seq.s32 s10, $0x1;
	s10 =	sld [smem:$0x3FA7]  }
0x3d: {  	_ =	shalt  }
0x3e: {  	_ =	shalt  }
0x3f: {  	_ =	shalt  }
0x40: {  	_ =	shalt  }
0x41: {  	_ =	shalt  }
0x42: {  	_ =	shalt  }
0x43: {  	_ =	shalt  }
0x44: {  	_ =	shalt  }
0x45: {  	_ =	shalt  }
0x46: {  	_ =	shalt  }
0x47: {  	_ =	shalt  }
0x48: {  	_ =	shalt  }
0x49: {  	_ =	shalt  }
0x4a: {  	_ =	shalt  }
0x4b: {  	_ =	shalt  }
0x4c: {  	_ =	shalt  }
0x4d: {  	_ =	shalt  }
0x4e: {  	_ =	shalt  }
0x4f: {  	_ =	shalt  }
0x50: {  	_ =	shalt  }
0x51: {  	_ =	shalt  }
0x52: {  	_ =	shalt  }
0x53: {  	_ =	shalt  }
0x54: {  	_ =	shalt  }
0x55: {  	_ =	shalt  }
0x56: {  	_ =	shalt  }
0x57: {  	_ =	shalt  }
0x58: {  	_ =	shalt  }
0x59: {  	_ =	shalt  }
0x5a: {  	_ =	shalt  }
0x5b: {  	_ =	shalt  }
0x5c: {  	_ =	shalt  }
0x5d: {  	_ =	shalt  }
0x5e: {  	_ =	shalt  }
0x5f: {  	_ =	shalt  }
0x60: {  	_ =	shalt  }
0x61: {  	_ =	shalt  }
0x62: {  	_ =	shalt  }
0x63: {  	_ =	shalt  }
0x64: {  	_ =	shalt  }
0x65: {  	_ =	shalt  }
0x66: {  	_ =	shalt  }
0x67: {  	_ =	shalt  }
0x68: {  	_ =	shalt  }
0x69: {  	_ =	shalt  }
0x6a: {  	_ =	shalt  }
0x6b: {  	_ =	shalt  }
0x6c: {  	_ =	shalt  }
0x6d: {  	_ =	shalt  }
0x6e: {  	_ =	shalt  }
0x6f: {  	_ =	shalt  }
0x70: {  	_ =	shalt  }
0x71: {  	_ =	shalt  }
0x72: {  	_ =	shalt  }
0x73: {  	_ =	shalt  }
0x74: {  	_ =	shalt  }
0x75: {  	_ =	shalt  }
0x76: {  	_ =	shalt  }
0x77: {  	_ =	shalt  }
0x78: {  	_ =	shalt  }
0x79: {  	_ =	shalt  }
0x7a: {  	_ =	shalt  }
0x7b: {  	_ =	shalt  }
0x7c: {  	_ =	shalt  }
0x7d: {  	_ =	shalt  }
0x7e: {  	_ =	shalt  }
0x7f: {  	_ =	shalt  }
0x80: {  	_ =	shalt  }
0x81: {  	_ =	shalt  }
0x82: {  	_ =	shalt  }
0x83: {  	_ =	shalt  }
0x84: {  	_ =	shalt  }
0x85: {  	_ =	shalt  }
0x86: {  	_ =	shalt  }
0x87: {  	_ =	shalt  }
.Lfunc_end0:
.L_simem_size_0:
called_computation_lowered:
.L_overlay_start_0:
0x88: {  	s2 =	sld [smem:$0x3FD9]  }
0x89: {  	s3 =	sld [smem:$0x3FFE];
	_ =	sdelay $0x1  }
0x8a: {  	s1 =	srdreg.scid  }
0x8b: {  	s0 =	sand.u32 $0x1, s1  }
0x8c: {  	s16 =	sshll.u32 s0, $0xA;
	s2 =	sadd.s32 s3, s2  }
0x8d: {  	s2 =	sadd.s32 s2, s16  }
0x8e: {  	[smem:$0x3FB3] =	sst s2  }
0x8f: {  	_ = 	snop  }
0x90: {  	(tm) =	ssettm $0x1  }
0x91: {  	s17 =	sld [smem:$0x3FFB];
	_ =	sdelay $0x3  }
0x92: {  	_ =	strace s17  }
0x93: {  	s2 =	sld [smem:$0x3FFC];
	_ =	sdelay $0x3  }
0x94: {  	_ =	strace s2  }
0x95: {  	s2 =	sld [smem:$0x3FFD];
	_ =	sdelay $0x3  }
0x96: {  	_ =	strace s2  }
0x97: {  	_ =	strace $0x8FFFFFFF  }
0x98: {  	s18 =	sld [smem:$0x3FDB];
	_ =	sdelay $0x1  }
0x99: {  	s19 =	simm.s32 $_scs_section_size  }
0x9a: {  	s4 =	simm.s32 $_size__tile_overlayer_lowered;
	s5 =	simm.s32 $_tile_overlayer_lowered  }
0x9b: {  	s22 =	simm.s32 $0x1BFF;
	s21 =	sshll.u32 s5, $0x1;
	s2 =	sadd.s32 s19, s18  }
0x9c: {  	s6 =	simm.s32 $0x0;
	s20 =	sshll.u32 s4, $0x1;
	s4 =	sadd.s32 s21, s2  }
0x9d: {  	[timem:s6], [sflag:s22] =	dma.local [hbm:s4], s20  }
0x9e: {  	_ =	swait.ge [sflag:s22], s20  }
0x9f: {  	s3 =	ssub.s32 $0x0, s20;
	[sflag:s22] =	ssyncset.done $0x0  }
0xa0: {  	[sflag:s22] =	ssyncadd.s32 s3;
	_ =	sdelay $0x1  }
0xa1: {  	s23 =	simm.s32 $0x1B8B  }
0xa2: {  	_ =	swait.ge [sflag:s23], $0x1  }
0xa3: {  	[sflag:s23] =	ssyncset.done $0x0  }
0xa4: {  	s25 =	simm.s32 $0x1B8E;
	s24 =	sld [smem:$0x3FFE];
	[sflag:s23] =	ssyncadd.s32 $0xFFFFFFFF  }
0xa5: {  	s26 =	simm.s32 $execute0_lowered;
	[smem:$0x3FD2] =	sst s25  }
0xa6: {  	s4 =	sshll.u32 s26, $0x1;
	_ =	strace $0x80000046;
	[dreg:$0x1] =	wrdreg $0xFFFFFFFF  }
0xa7: {  	s28 =	simm.s32 $_size_execute0_lowered;
	s2 =	sadd.s32 s2, s4;
	[dreg:$0x0] =	wrdreg $0x0  }
0xa8: {  	s4 =	sshll.u32 s28, $0x1;
	[dreg:$0x2] =	wrdreg s2  }
0xa9: {  	[dreg:$0x3] =	wrdreg s4  }
0xaa: {  	[dreg:$0x4] =	wrdreg $0xC0  }
0xab: {  	_ =	task [dreg:s6], $0x5FFFF  }
0xac: {  	[dreg:$0x1] =	wrdreg $0xFFFFFFFF  }
0xad: {  	[dreg:$0x0] =	wrdreg $0x60  }
0xae: {  	[dreg:$0x2] =	wrdreg s24  }
0xaf: {  	[dreg:$0x3] =	wrdreg $0x9  }
0xb0: {  	_ =	task.clear_ibuf [dreg:s6], $0x4FFFF;
	_ =	strace $0x90000046  }
0xb1: {  	s29 =	simm.s32 $0x9;
	_ =	strace $0x8000004F  }
0xb2: {  	_ =	swait.ge [sflag:s29], $0x1  }
0xb3: {  	[sflag:s29] =	ssyncadd.s32 $0xFFFFFFFF  }
0xb4: {  	_ =	strace $0x9000004F  }
0xb5: {  	_ =	sfence  }
0xb6: {  	s30 =	sld [smem:$0x0];
	_ =	sdelay $0x2  }
0xb7: {  	s31 =	sshll.u32 s1, $0xD;
	s1 =	sshrl.u32 s1, $0x2  }
0xb8: {  	s3 =	sand.u32 $0x4000, s31;
	s1 =	sadd.s32 s1, s30  }
0xb9: {  	s0 =	sor.u32 s3, s0;
	s1 =	sshll.u32 s1, $0x11  }
0xba: {  	s0 =	sor.u32 s1, s0  }
0xbb: {  	s0 =	sadd.s32 $0x8F2B, s0  }
0xbc: {  	[sflag:s0] =	ssyncadd.remote.s32 $0x1  }
0xbd: {  	_ =	sfence.sel $0xFFFF  }
0xbe: {  	[dreg:$0x0] =	wrdreg $0xFFFFFFFF;
	(pc) =	sbr.abs _section_cstart, $3  }
0xbf: {  	[dreg:$0x1] =	wrdreg $0xFFFFFFFF  }
0xc0: {  	_ =	task.clear_ibuf [dreg:s6], $0x2FFFF;
	_ =	strace $0x9FFFFFFF  }
0xc1: {  	(tm) =	ssettm $0x7FFFFFFF  }
tec
execute0_lowered:
.L_overlay_start_1:
0x0: {  	(tag) =	ssettag $0x1  }
0x1: {  	s1 =	rddreg [dreg:$0x0]  }
0x2: {  	s0 =	rddreg [dreg:$0x1];
	s2 =	simm.s32 $0x0  }
0x3: {  	s3 =	srdreg.scid;
	s10 =	simm.s32 $0x5;
	s11 =	simm.s32 $0x4  }
0x4: {  	s12 =	simm.s32 $0x0;
	[smem:$0x7FF] =	sst s2;
	s4 =	sadd.s32 $0x49A000, s1  }
.Ltmp0:
0x5: {  	s5 =	sand.u32 $0x1, s3;
	s3 =	stileid.u32;
	(pc) =	sbr.rel .LBB2_1-.Ltmp0, $4  }
0x6: {  	_ =	strace $0x80000047;
	s6 =	ssub.s32 $0x2, s5;
	s7 =	sshll.u32 s5, $0x4  }
0x7: {  	v2 =	vlaneseq.u32;
	s5 =	sadd.s32 $0x49A400, s1;
	s8 =	sshrl.u32 s6, $0x1;
	s7 =	sor.u32 s3, s7  }
0x8: {  	vm0 =	vmmov $0xffff;
	vm1 =	vmmov $0xff;
	v1 =	vshrl.u32 v2, $0x3;
	s9 =	ssub.s32 s6, s8;
	s6 =	sshll.u32 s7, $0x1;
	s7 =	sshll.u32 s7, $0x5  }
0x9: {  	v0 =	vand.u32 $0x7, v2;
	v2 =	vor.u32 $0x8, v2;
	v1 =	vmul.u32 $0x8, v1;
	s8 =	sadd.s32 $0x100, s1;
	s7 =	sadd.s32 s4, s7;
	s9 =	smax.u32 s9, $0x1  }
.LBB2_4:
0xa: {  	s13 =	sand.u32 $0x1, s13  }
0xb: {  	_ =	strace $0x8000004D;
	s13 =	sadd.s32 $0x3, s13  }
0xc: {  	_ =	swait.ge [sflag:s13], $0xC000  }
0xd: {  	[sflag:s13] =	ssyncset.done $0x0  }
0xe: {  	s12 =	sadd.s32 $0x1, s12;
	[sflag:s13] =	ssyncadd.s32 $0xFFFF4000  }
0xf: {  	p0 =	sne.s32 s12, s9;
	_ =	strace $0x9000004D  }
.Ltmp1:
0x10: {  	_ =	strace $0x8000004E;
	(pc) =	sbr.rel @!p0 .LBB2_5-.Ltmp1, $4  }
0x11: {  	_ =	swait.ge [sflag:s11], $0xC000  }
0x12: {  	[sflag:s11] =	ssyncset.done $0x0  }
0x13: {  	[sflag:s11] =	ssyncadd.s32 $0xFFFF4000  }
0x14: {  	_ =	strace $0x9000004E  }
.LBB2_1:
0x15: {  	_ =	strace $0x80000048  }
0x16: {  	p0 =	por $0x1, $0x1;
	p2 =	por $0x0, $0x0;
	s14 =	simm.s32 $0x0  }
0x17: {  	s13 =	simm.s32 $0x0;
	s18 =	simm.s32 $0x0;
	s15 =	simm.s32 $0x0  }
0x18: {  	[tilespmem:s2], [sflag:$0x1] =	stream.linear.gather [hbm4b:s7+s2], $0x80, $0x200038;
	[tilespmem:$0x18100] =	vst v63  }
0x19: {  	s16 =	simm.s32 $0x1;
	s17 =	simm.s32 $0x0;
	_ =	strace $0x90000048  }
.LBB2_2:
0x1a: {  	s19 =	smov.u32 s14;
	s14 =	sadd.s32 $0x1, s14  }
0x1b: {  	p1 =	seq.s32 s14, $0x2  }
0x1c: {  	s14 =	simm.s32 @p1 $0x0  }
0x1d: {  	p1 =	sne.s32 s19, s14  }
0x1e: {  	p1 =	por !p0, !p1  }
0x1f: {  	p1 =	por !p1, !p1  }
0x20: {  	s20 =	sadd.s32 @p1 s6, s14  }
0x21: {  	s21 =	sand.u32 @p1 $0x1, s16;
	s20 =	sshll.u32 @p1 s20, $0x4  }
0x22: {  	_ =	strace @p1 $0x80000049;
	s23 =	simm.s32 @p1 $0x0;
	s20 =	sand.u32 @p1 $0x1FFFFFF0, s20  }
0x23: {  	s22 =	sshll.u32 @p1 s21, $0x7;
	s21 =	sadd.s32 @p1 $0x1, s21;
	s20 =	sadd.s32 @p1 s4, s20  }
0x24: {  	[tilespmem:s22], [sflag:s21] =	stream.linear.gather @p1 [hbm4b:s20+s23], $0x80, $0x200038;
	[tilespmem:$0x18100] =	vst v63  }
0x25: {  	s23 =	sand.u32 $0x1, s15;
	_ =	strace @p1 $0x90000049  }
0x26: {  	s20 =	sadd.s32 $0x1, s23;
	_ =	strace $0x8000004A  }
0x27: {  	_ =	swait.ge [sflag:s20], $0x80  }
0x28: {  	[sflag:s20] =	ssyncset.done $0x0  }
0x29: {  	[sflag:s20] =	ssyncadd.s32 $0xFFFFFF80  }
0x2a: {  	s24 =	sshll.u32 s15, $0x7;
	_ =	strace $0x9000004A  }
0x2b: {  	s23 =	sand.u32 $0x80, s24;
	_ =	strace $0x8000004B  }
0x2c: {  	v3 =	vld [tilespmem:s23+$0x0];
	_ =	sdelay $0x4  }
0x2d: {  	v4 =	vshrl.u32 v3, $0x3  }
0x2e: {  	v4 =	vmul.u32 $0x18, v4  }
0x2f: {  	v3 =	vand.u32 $0x7, v3  }
0x30: {  	v3 =	vor.u32 v3, v4  }
0x31: {  	v4 =	vperm.xlane v3, v0;
	_ =	sdelay $0x1  }
0x32: {  	s20 =	sand.u32 $0x1, s18;
	v4 =	vadd.s32 v1, v4  }
0x33: {  	s25 =	smul.u32 $0x30000, s20  }
0x34: {  	v3 =	vperm.xlane v3, v2  }
0x35: {  	s22 =	sshrl.u32 s25, $0x2  }
0x36: {  	s21 =	sor.u32 $0x100, s22;
	v3 =	vadd.s32 v1, v3  }
0x37: {  	[tilespmem:s21], [sflag:$0x5] =	stream.indirect_vreg.gather [hbm4b:s1+s2], $0x80, v4, vm0, $0x2000b8;
	[tilespmem:$0x18100] =	vst v63  }
0x38: {  	s24 =	sor.u32 $0x900, s22  }
0x39: {  	[tilespmem:s24], [sflag:$0x5] =	stream.indirect_vreg.gather [hbm4b:s8+s2], $0x80, v4, vm1, $0x2000b8;
	[tilespmem:$0x18100] =	vst v63  }
0x3a: {  	s26 =	sor.u32 $0xD00, s22  }
0x3b: {  	[tilespmem:s26], [sflag:$0x5] =	stream.indirect_vreg.gather [hbm4b:s1+s2], $0x80, v3, vm0, $0x2000b8;
	[tilespmem:$0x18100] =	vst v63  }
0x3c: {  	s28 =	sor.u32 $0x1500, s22  }
0x3d: {  	[tilespmem:s28], [sflag:$0x5] =	stream.indirect_vreg.gather [hbm4b:s8+s2], $0x80, v3, vm1, $0x2000b8;
	[tilespmem:$0x18100] =	vst v63  }
0x3e: {  	v3 =	vld [tilespmem:s23+$0x10];
	_ =	sdelay $0x4  }
0x3f: {  	v57 =	vshrl.u32 v3, $0x3  }
0x40: {  	v4 =	vmul.u32 $0x18, v57  }
0x41: {  	v3 =	vand.u32 $0x7, v3  }
0x42: {  	v3 =	vor.u32 v3, v4  }
0x43: {  	v4 =	vperm.xlane v3, v0;
	_ =	sdelay $0x1  }
0x44: {  	v4 =	vadd.s32 v1, v4;
	_ =	sdelay $0x1  }
0x45: {  	v3 =	vperm.xlane v3, v2;
	_ =	sdelay $0x1  }
0x46: {  	s29 =	sor.u32 $0x1900, s22;
	v3 =	vadd.s32 v1, v3  }
0x47: {  	[tilespmem:s29], [sflag:$0x5] =	stream.indirect_vreg.gather [hbm4b:s1+s2], $0x80, v4, vm0, $0x2000b8;
	[tilespmem:$0x18100] =	vst v63  }
0x48: {  	s30 =	sor.u32 $0x2100, s22  }
0x49: {  	[tilespmem:s30], [sflag:$0x5] =	stream.indirect_vreg.gather [hbm4b:s8+s2], $0x80, v4, vm1, $0x2000b8;
	[tilespmem:$0x18100] =	vst v63  }
0x4a: {  	s31 =	sor.u32 $0x2500, s22  }
0x4b: {  	[tilespmem:s31], [sflag:$0x5] =	stream.indirect_vreg.gather [hbm4b:s1+s2], $0x80, v3, vm0, $0x2000b8;
	[tilespmem:$0x18100] =	vst v63  }
0x4c: {  	s25 =	sor.u32 $0x2D00, s22  }
0x4d: {  	[tilespmem:s25], [sflag:$0x5] =	stream.indirect_vreg.gather [hbm4b:s8+s2], $0x80, v3, vm1, $0x2000b8;
	[tilespmem:$0x18100] =	vst v63  }
0x4e: {  	v3 =	vld [tilespmem:s23+$0x20];
	_ =	sdelay $0x4  }
0x4f: {  	v58 =	vshrl.u32 v3, $0x3  }
0x50: {  	v4 =	vmul.u32 $0x18, v58  }
0x51: {  	v3 =	vand.u32 $0x7, v3  }
0x52: {  	v3 =	vor.u32 v3, v4  }
0x53: {  	v4 =	vperm.xlane v3, v0;
	_ =	sdelay $0x1  }
0x54: {  	v4 =	vadd.s32 v1, v4;
	_ =	sdelay $0x1  }
0x55: {  	v3 =	vperm.xlane v3, v2;
	_ =	sdelay $0x1  }
0x56: {  	s26 =	sor.u32 $0x3100, s22;
	v3 =	vadd.s32 v1, v3  }
0x57: {  	[tilespmem:s26], [sflag:$0x5] =	stream.indirect_vreg.gather [hbm4b:s1+s2], $0x80, v4, vm0, $0x2000b8;
	[tilespmem:$0x18100] =	vst v63  }
0x58: {  	s28 =	sor.u32 $0x3900, s22  }
0x59: {  	[tilespmem:s28], [sflag:$0x5] =	stream.indirect_vreg.gather [hbm4b:s8+s2], $0x80, v4, vm1, $0x2000b8;
	[tilespmem:$0x18100] =	vst v63  }
0x5a: {  	s29 =	sor.u32 $0x3D00, s22  }
0x5b: {  	[tilespmem:s29], [sflag:$0x5] =	stream.indirect_vreg.gather [hbm4b:s1+s2], $0x80, v3, vm0, $0x2000b8;
	[tilespmem:$0x18100] =	vst v63  }
0x5c: {  	s30 =	sadd.s32 $0x4500, s22  }
0x5d: {  	[tilespmem:s30], [sflag:$0x5] =	stream.indirect_vreg.gather [hbm4b:s8+s2], $0x80, v3, vm1, $0x2000b8;
	[tilespmem:$0x18100] =	vst v63  }
0x5e: {  	v3 =	vld [tilespmem:s23+$0x30];
	_ =	sdelay $0x4  }
0x5f: {  	v59 =	vshrl.u32 v3, $0x3  }
0x60: {  	v4 =	vmul.u32 $0x18, v59  }
0x61: {  	v3 =	vand.u32 $0x7, v3  }
0x62: {  	v3 =	vor.u32 v3, v4  }
0x63: {  	v4 =	vperm.xlane v3, v0;
	_ =	sdelay $0x1  }
0x64: {  	v4 =	vadd.s32 v1, v4;
	_ =	sdelay $0x1  }
0x65: {  	v3 =	vperm.xlane v3, v2;
	_ =	sdelay $0x1  }
0x66: {  	s31 =	sadd.s32 $0x4900, s22;
	v3 =	vadd.s32 v1, v3  }
0x67: {  	[tilespmem:s31], [sflag:$0x5] =	stream.indirect_vreg.gather [hbm4b:s1+s2], $0x80, v4, vm0, $0x2000b8;
	[tilespmem:$0x18100] =	vst v63  }
0x68: {  	s25 =	sadd.s32 $0x5100, s22  }
0x69: {  	[tilespmem:s25], [sflag:$0x5] =	stream.indirect_vreg.gather [hbm4b:s8+s2], $0x80, v4, vm1, $0x2000b8;
	[tilespmem:$0x18100] =	vst v63  }
0x6a: {  	s26 =	sadd.s32 $0x5500, s22  }
0x6b: {  	[tilespmem:s26], [sflag:$0x5] =	stream.indirect_vreg.gather [hbm4b:s1+s2], $0x80, v3, vm0, $0x2000b8;
	[tilespmem:$0x18100] =	vst v63  }
0x6c: {  	s28 =	sadd.s32 $0x5D00, s22  }
0x6d: {  	[tilespmem:s28], [sflag:$0x5] =	stream.indirect_vreg.gather [hbm4b:s8+s2], $0x80, v3, vm1, $0x2000b8;
	[tilespmem:$0x18100] =	vst v63  }
0x6e: {  	v3 =	vld [tilespmem:s23+$0x40];
	_ =	sdelay $0x4  }
0x6f: {  	v60 =	vshrl.u32 v3, $0x3  }
0x70: {  	v4 =	vmul.u32 $0x18, v60  }
0x71: {  	v3 =	vand.u32 $0x7, v3  }
0x72: {  	v3 =	vor.u32 v3, v4  }
0x73: {  	v4 =	vperm.xlane v3, v0;
	_ =	sdelay $0x1  }
0x74: {  	v4 =	vadd.s32 v1, v4;
	_ =	sdelay $0x1  }
0x75: {  	v3 =	vperm.xlane v3, v2;
	_ =	sdelay $0x1  }
0x76: {  	s29 =	sadd.s32 $0x6100, s22;
	v3 =	vadd.s32 v1, v3  }
0x77: {  	[tilespmem:s29], [sflag:$0x5] =	stream.indirect_vreg.gather [hbm4b:s1+s2], $0x80, v4, vm0, $0x2000b8;
	[tilespmem:$0x18100] =	vst v63  }
0x78: {  	s30 =	sadd.s32 $0x6900, s22  }
0x79: {  	[tilespmem:s30], [sflag:$0x5] =	stream.indirect_vreg.gather [hbm4b:s8+s2], $0x80, v4, vm1, $0x2000b8;
	[tilespmem:$0x18100] =	vst v63  }
0x7a: {  	s31 =	sadd.s32 $0x6D00, s22  }
0x7b: {  	[tilespmem:s31], [sflag:$0x5] =	stream.indirect_vreg.gather [hbm4b:s1+s2], $0x80, v3, vm0, $0x2000b8;
	[tilespmem:$0x18100] =	vst v63  }
0x7c: {  	s25 =	sadd.s32 $0x7500, s22  }
0x7d: {  	[tilespmem:s25], [sflag:$0x5] =	stream.indirect_vreg.gather [hbm4b:s8+s2], $0x80, v3, vm1, $0x2000b8;
	[tilespmem:$0x18100] =	vst v63  }
0x7e: {  	v3 =	vld [tilespmem:s23+$0x50];
	_ =	sdelay $0x4  }
0x7f: {  	v61 =	vshrl.u32 v3, $0x3  }
0x80: {  	v4 =	vmul.u32 $0x18, v61  }
0x81: {  	v3 =	vand.u32 $0x7, v3  }
0x82: {  	v3 =	vor.u32 v3, v4  }
0x83: {  	v4 =	vperm.xlane v3, v0;
	_ =	sdelay $0x1  }
0x84: {  	v4 =	vadd.s32 v1, v4;
	_ =	sdelay $0x1  }
0x85: {  	v3 =	vperm.xlane v3, v2;
	_ =	sdelay $0x1  }
0x86: {  	s26 =	sadd.s32 $0x7900, s22;
	v3 =	vadd.s32 v1, v3  }
0x87: {  	[tilespmem:s26], [sflag:$0x5] =	stream.indirect_vreg.gather [hbm4b:s1+s2], $0x80, v4, vm0, $0x2000b8;
	[tilespmem:$0x18100] =	vst v63  }
0x88: {  	s28 =	sadd.s32 $0x8100, s22  }
0x89: {  	[tilespmem:s28], [sflag:$0x5] =	stream.indirect_vreg.gather [hbm4b:s8+s2], $0x80, v4, vm1, $0x2000b8;
	[tilespmem:$0x18100] =	vst v63  }
0x8a: {  	s29 =	sadd.s32 $0x8500, s22  }
0x8b: {  	[tilespmem:s29], [sflag:$0x5] =	stream.indirect_vreg.gather [hbm4b:s1+s2], $0x80, v3, vm0, $0x2000b8;
	[tilespmem:$0x18100] =	vst v63  }
0x8c: {  	s30 =	sadd.s32 $0x8D00, s22  }
0x8d: {  	[tilespmem:s30], [sflag:$0x5] =	stream.indirect_vreg.gather [hbm4b:s8+s2], $0x80, v3, vm1, $0x2000b8;
	[tilespmem:$0x18100] =	vst v63  }
0x8e: {  	v3 =	vld [tilespmem:s23+$0x60];
	_ =	sdelay $0x4  }
0x8f: {  	v62 =	vshrl.u32 v3, $0x3  }
0x90: {  	v4 =	vmul.u32 $0x18, v62  }
0x91: {  	v3 =	vand.u32 $0x7, v3  }
0x92: {  	v3 =	vor.u32 v3, v4  }
0x93: {  	v4 =	vperm.xlane v3, v0;
	_ =	sdelay $0x1  }
0x94: {  	v4 =	vadd.s32 v1, v4;
	_ =	sdelay $0x1  }
0x95: {  	v3 =	vperm.xlane v3, v2;
	_ =	sdelay $0x1  }
0x96: {  	s31 =	sadd.s32 $0x9100, s22;
	v3 =	vadd.s32 v1, v3  }
0x97: {  	[tilespmem:s31], [sflag:$0x5] =	stream.indirect_vreg.gather [hbm4b:s1+s2], $0x80, v4, vm0, $0x2000b8;
	[tilespmem:$0x18100] =	vst v63  }
0x98: {  	s25 =	sadd.s32 $0x9900, s22  }
0x99: {  	[tilespmem:s25], [sflag:$0x5] =	stream.indirect_vreg.gather [hbm4b:s8+s2], $0x80, v4, vm1, $0x2000b8;
	[tilespmem:$0x18100] =	vst v63  }
0x9a: {  	s26 =	sadd.s32 $0x9D00, s22  }
0x9b: {  	[tilespmem:s26], [sflag:$0x5] =	stream.indirect_vreg.gather [hbm4b:s1+s2], $0x80, v3, vm0, $0x2000b8;
	[tilespmem:$0x18100] =	vst v63  }
0x9c: {  	s28 =	sadd.s32 $0xA500, s22  }
0x9d: {  	[tilespmem:s28], [sflag:$0x5] =	stream.indirect_vreg.gather [hbm4b:s8+s2], $0x80, v3, vm1, $0x2000b8;
	[tilespmem:$0x18100] =	vst v63  }
0x9e: {  	v3 =	vld [tilespmem:s23+$0x70];
	_ =	sdelay $0x4  }
0x9f: {  	v63 =	vshrl.u32 v3, $0x3  }
0xa0: {  	v4 =	vmul.u32 $0x18, v63  }
0xa1: {  	v3 =	vand.u32 $0x7, v3  }
0xa2: {  	v3 =	vor.u32 v3, v4  }
0xa3: {  	v4 =	vperm.xlane v3, v0;
	_ =	sdelay $0x1  }
0xa4: {  	v4 =	vadd.s32 v1, v4;
	_ =	sdelay $0x1  }
0xa5: {  	v3 =	vperm.xlane v3, v2;
	_ =	sdelay $0x1  }
0xa6: {  	s29 =	sadd.s32 $0xA900, s22;
	v3 =	vadd.s32 v1, v3  }
0xa7: {  	[tilespmem:s29], [sflag:$0x5] =	stream.indirect_vreg.gather [hbm4b:s1+s2], $0x80, v4, vm0, $0x2000b8;
	[tilespmem:$0x18100] =	vst v63  }
0xa8: {  	s30 =	sadd.s32 $0xB100, s22  }
0xa9: {  	[tilespmem:s30], [sflag:$0x5] =	stream.indirect_vreg.gather [hbm4b:s8+s2], $0x80, v4, vm1, $0x2000b8;
	[tilespmem:$0x18100] =	vst v63  }
0xaa: {  	p2 =	por !p2, !p2;
	p3 =	seq.s32 s19, s14;
	s31 =	sadd.s32 $0xB500, s22  }
0xab: {  	[tilespmem:s31], [sflag:$0x5] =	stream.indirect_vreg.gather [hbm4b:s1+s2], $0x80, v3, vm0, $0x2000b8;
	[tilespmem:$0x18100] =	vst v63  }
0xac: {  	p2 =	por !p2, !p3;
	s22 =	sadd.s32 $0xBD00, s22  }
0xad: {  	[tilespmem:s22], [sflag:$0x5] =	stream.indirect_vreg.gather [hbm4b:s8+s2], $0x80, v3, vm1, $0x2000b8;
	[tilespmem:$0x18100] =	vst v63  }
0xae: {  	s19 =	sadd.s32 s6, s19;
	p2 =	por !p2, !p2;
	_ =	swait.ge [sflag:s10], $0xC000  }
0xaf: {  	s19 =	smul.u32 @!p2 $0x1800, s19;
	p0 =	por p2, p0;
	[sflag:s10] =	ssyncset.done $0x0  }
.Ltmp2:
0xb0: {  	[sflag:s10] =	ssyncadd.s32 $0xFFFF4000;
	(pc) =	sbr.rel @!p0 .LBB2_4-.Ltmp2, $4  }
0xb1: {  	s19 =	sadd.s32 @!p2 s5, s19;
	_ =	strace $0x9000004B  }
0xb2: {  	s20 =	sadd.s32 @!p2 $0x3, s20;
	s22 =	simm.s32 @!p2 $0x0;
	_ =	strace @!p2 $0x8000004C  }
0xb3: {  	[hbm4b:s19+s22] =	stream.linear.scatter @!p2 [tilespmem:s21], [sflag:s20], $0xC000, $0x200038;
	[tilespmem:$0x18100] =	vst v63  }
0xb4: {  	_ =	strace @!p2 $0x9000004C  }
.Ltmp3:
0xb5: {  	s19 =	simm.s32 $0x1;
	(pc) =	sbr.rel .LBB2_2-.Ltmp3, $4  }
0xb6: {  	s20 =	simm.s32 @!p2 $0x1;
	s13 =	sadd.s32 s17, s13;
	s19 =	simm.s32 @!p1 $0x0  }
0xb7: {  	s17 =	simm.s32 $0x1;
	s16 =	sadd.s32 s19, s16;
	s19 =	sadd.s32 @!p2 $0x1, s18  }
0xb8: {  	p0 =	por $0x0, $0x0;
	s20 =	simm.s32 @p2 $0x0;
	s19 =	smov.u32 @p2 s18  }
0xb9: {  	s15 =	sadd.s32 s15, s20;
	p2 =	por $0x1, $0x1;
	s18 =	smov.u32 s19  }
.LBB2_5:
0xba: {  	_ =	sfence.sel $0x180000  }
0xbb: {  	[bflag:$0x0] =	sbarrier.arrive $0xFFFF  }
0xbc: {  	p0 =	sne.s32 s3, $0x0;
	_ =	strace $0x90000047  }
0xbd: {  	s0 =	sadd.s32 @!p0 $0x100000, s0;
	[bflag:$0x2] =	sbarrier.arrive $0xFFFF  }
0xbe: {  	[sflag:s0] =	ssyncadd.tile.s32 @!p0 $0x1;
	_ =	shalt  }
.Lfunc_end2:
_tile_overlayer_lowered:
.L_overlay_start_2:
0xbf: {  	(tag) =	ssettag $0x2  }
0xc0: {  	s0 =	rddreg [dreg:$0x0];
	s2 =	stileid.u32  }
0xc1: {  	s1 =	rddreg [dreg:$0x1];
	p0 =	sne.s32 s2, $0x0  }
0xc2: {  	s3 =	rddreg [dreg:$0x2];
	[bflag:$0x3] =	sbarrier.arrive $0xFFFF;
	s2 =	simm.s32 @!p0 $0x1C01  }
0xc3: {  	[timem:s3], [sflag:s2] =	dma.local @!p0 [hbm:s0], s1  }
0xc4: {  	s0 =	simm.s32 @!p0 $0x1  }
0xc5: {  	_ =	swait.ge @!p0 [sflag:s0], s1  }
0xc6: {  	s1 =	ssub.s32 @!p0 $0x0, s1;
	[sflag:s0] =	ssyncset.done @!p0 $0x0  }
0xc7: {  	[sflag:s0] =	ssyncadd.s32 @!p0 s1  }
0xc8: {  	[bflag:$0x3] =	sbarrier.arrive $0xFFFF  }
0xc9: {  	_ =	shalt  }

// kernel: kernel.9.cloned.1.call-start
scs
__scs_entry_jumppad:
0x0: {  	(pc) =	sbr.rel $0x88, $3  }
0x1: {  	(tag) =	ssettag $0x0;
	lr =	simm.s32 $0x1  }
0x2: {  	[smem:$0x3F8C] =	sst lr;
	_ =	strace $0xD0000000  }
0x3: {  	_ = 	snop  }
0x4: {  	_ = 	snop  }
0x5: {  	_ = 	snop  }
0x6: {  	_ = 	snop  }
0x7: {  	_ = 	snop  }
__scs_overlays_trampoline_lowered:
0x8: {  	[smem:$0x3F9B] =	sst s0  }
0x9: {  	[smem:$0x3F9C] =	sst s1  }
0xa: {  	[smem:$0x3F9D] =	sst s2  }
0xb: {  	[smem:$0x3F9E] =	sst s3  }
0xc: {  	[smem:$0x3F9F] =	sst s4  }
0xd: {  	[smem:$0x3FA0] =	sst s5  }
0xe: {  	[smem:$0x3FA1] =	sst s6  }
0xf: {  	[smem:$0x3FA2] =	sst s7  }
0x10: {  	[smem:$0x3FA3] =	sst s8  }
0x11: {  	[smem:$0x3FA4] =	sst s9;
	s0 =	simm.s32 @!p0 $0x0  }
0x12: {  	s1 =	sld [smem:$0x3F8A];
	s0 =	simm.s32 @p0 $0x1  }
0x13: {  	[smem:$0x3FA5] =	sst s0;
	s0 =	simm.s32 @!p1 $0x0  }
0x14: {  	s2 =	sld [smem:$0x3F89];
	s0 =	simm.s32 @p1 $0x1  }
0x15: {  	[smem:$0x3FA6] =	sst s0;
	s0 =	simm.s32 @!p2 $0x0  }
0x16: {  	s3 =	sld [smem:$0x3FDB];
	s0 =	simm.s32 @p2 $0x1  }
0x17: {  	s4 =	simm.s32 $0x1BF5;
	[smem:$0x3FA8] =	sst s0  }
0x18: {  	s0 =	sld [smem:$0x3F8B];
	_ =	swait.ge [sflag:s4], $0x0  }
0x19: {  	s7 =	sld [smem:$0x3F8C]  }
0x1a: {  	s8 =	sadd.s32 $0xFFFFE003, lr  }
0x1b: {  	s9 =	sadd.s32 $0xFFFFFEF7, lr;
	s5 =	simm.s32 $0xFFFFFFFF;
	p2 =	slt.u32 s8, $0xFFFFF086  }
0x1c: {  	p1 =	slt.u32 s9, $0xF7A;
	s5 =	simm.s32 @!p2 $0x0  }
0x1d: {  	s5 =	simm.s32 @p1 $0x1;
	p0 =	seq.s32 s7, s2  }
0x1e: {  	s7 =	smul.u32 @!p0 $0xF7A, s2;
	p2 =	seq.s32 @!p0 s5, $0x0  }
0x1f: {  	s9 =	smul.u32 $0xF7A, s1;
	s8 =	simm.s32 @!p0 $0x1BF5;
	p2 =	por !p2, p0  }
0x20: {  	[sflag:s8] =	ssyncset.s32 @!p0 $0xFFFFF086;
	s6 =	sadd.s32 @!p0 s3, s7;
	s7 =	simm.s32 @!p0 $0x108  }
0x21: {  	s3 =	sadd.s32 s3, s9;
	s6 =	sadd.s32 @!p0 $0x88, s6;
	s7 =	simm.s32 @p2 $0x1082  }
0x22: {  	[simem:s7], [sflag:s8] =	dma.local @!p0 [hbm:s6], $0xF7A  }
0x23: {  	s9 =	sor.u32 $0xD0000000, s2;
	s6 =	simm.s32 $0x108;
	_ =	swait.ge @!p0 [sflag:s8], $0x0  }
0x24: {  	s3 =	sadd.s32 $0x88, s3;
	s6 =	simm.s32 @!p1 $0x1082;
	[sflag:s4] =	ssyncset.s32 $0xFFFFF086  }
0x25: {  	[simem:s6], [sflag:s4] =	dma.local [hbm:s3], $0xF7A  }
0x26: {  	[smem:$0x3F8C] =	sst s1;
	(tag) =	ssettag s2;
	_ =	strace s9  }
0x27: {  	s1 =	sld [smem:$0x3F9C]  }
0x28: {  	s2 =	sld [smem:$0x3F9D]  }
0x29: {  	s4 =	sld [smem:$0x3F9F]  }
0x2a: {  	p0 =	seq.s32 s5, $0x0;
	s5 =	sld [smem:$0x3FA0]  }
0x2b: {  	s6 =	sld [smem:$0x3FA1]  }
0x2c: {  	s7 =	sld [smem:$0x3FA2]  }
0x2d: {  	s3 =	simm.s32 $0x108;
	s8 =	sld [smem:$0x3FA3]  }
0x2e: {  	s3 =	simm.s32 @!p0 $0x1082;
	s9 =	sld [smem:$0x3FA4]  }
0x2f: {  	lr =	sadd.s32 s0, s3;
	s0 =	sld [smem:$0x3F9B]  }
0x30: {  	s3 =	sld [smem:$0x3F9E]  }
0x31: {  	[smem:$0x3FA7] =	sst s10  }
0x32: {  	s10 =	sld [smem:$0x3FA5];
	_ =	sdelay $0x3  }
0x33: {  	p0 =	seq.s32 s10, $0x1;
	s10 =	sld [smem:$0x3FA7];
	_ =	sdelay $0x3  }
0x34: {  	[smem:$0x3FA7] =	sst s10  }
0x35: {  	s10 =	sld [smem:$0x3FA6];
	_ =	sdelay $0x3  }
0x36: {  	p1 =	seq.s32 s10, $0x1;
	s10 =	sld [smem:$0x3FA7];
	_ =	sdelay $0x3  }
0x37: {  	[smem:$0x3FA7] =	sst s10  }
0x38: {  	s10 =	sld [smem:$0x3FA8]  }
0x39: {  	_ = 	snop;
	(pc) =	sbr.ind lr, $3  }
0x3a: {  	_ = 	snop  }
0x3b: {  	_ = 	snop  }
0x3c: {  	p2 =	seq.s32 s10, $0x1;
	s10 =	sld [smem:$0x3FA7]  }
0x3d: {  	_ =	shalt  }
0x3e: {  	_ =	shalt  }
0x3f: {  	_ =	shalt  }
0x40: {  	_ =	shalt  }
0x41: {  	_ =	shalt  }
0x42: {  	_ =	shalt  }
0x43: {  	_ =	shalt  }
0x44: {  	_ =	shalt  }
0x45: {  	_ =	shalt  }
0x46: {  	_ =	shalt  }
0x47: {  	_ =	shalt  }
0x48: {  	_ =	shalt  }
0x49: {  	_ =	shalt  }
0x4a: {  	_ =	shalt  }
0x4b: {  	_ =	shalt  }
0x4c: {  	_ =	shalt  }
0x4d: {  	_ =	shalt  }
0x4e: {  	_ =	shalt  }
0x4f: {  	_ =	shalt  }
0x50: {  	_ =	shalt  }
0x51: {  	_ =	shalt  }
0x52: {  	_ =	shalt  }
0x53: {  	_ =	shalt  }
0x54: {  	_ =	shalt  }
0x55: {  	_ =	shalt  }
0x56: {  	_ =	shalt  }
0x57: {  	_ =	shalt  }
0x58: {  	_ =	shalt  }
0x59: {  	_ =	shalt  }
0x5a: {  	_ =	shalt  }
0x5b: {  	_ =	shalt  }
0x5c: {  	_ =	shalt  }
0x5d: {  	_ =	shalt  }
0x5e: {  	_ =	shalt  }
0x5f: {  	_ =	shalt  }
0x60: {  	_ =	shalt  }
0x61: {  	_ =	shalt  }
0x62: {  	_ =	shalt  }
0x63: {  	_ =	shalt  }
0x64: {  	_ =	shalt  }
0x65: {  	_ =	shalt  }
0x66: {  	_ =	shalt  }
0x67: {  	_ =	shalt  }
0x68: {  	_ =	shalt  }
0x69: {  	_ =	shalt  }
0x6a: {  	_ =	shalt  }
0x6b: {  	_ =	shalt  }
0x6c: {  	_ =	shalt  }
0x6d: {  	_ =	shalt  }
0x6e: {  	_ =	shalt  }
0x6f: {  	_ =	shalt  }
0x70: {  	_ =	shalt  }
0x71: {  	_ =	shalt  }
0x72: {  	_ =	shalt  }
0x73: {  	_ =	shalt  }
0x74: {  	_ =	shalt  }
0x75: {  	_ =	shalt  }
0x76: {  	_ =	shalt  }
0x77: {  	_ =	shalt  }
0x78: {  	_ =	shalt  }
0x79: {  	_ =	shalt  }
0x7a: {  	_ =	shalt  }
0x7b: {  	_ =	shalt  }
0x7c: {  	_ =	shalt  }
0x7d: {  	_ =	shalt  }
0x7e: {  	_ =	shalt  }
0x7f: {  	_ =	shalt  }
0x80: {  	_ =	shalt  }
0x81: {  	_ =	shalt  }
0x82: {  	_ =	shalt  }
0x83: {  	_ =	shalt  }
0x84: {  	_ =	shalt  }
0x85: {  	_ =	shalt  }
0x86: {  	_ =	shalt  }
0x87: {  	_ =	shalt  }
.Lfunc_end0:
.L_simem_size_0:
called_computation.1_lowered:
.L_overlay_start_0:
0x88: {  	s2 =	sld [smem:$0x3FD9]  }
0x89: {  	s3 =	sld [smem:$0x3FFE];
	_ =	sdelay $0x1  }
0x8a: {  	s1 =	srdreg.scid  }
0x8b: {  	s0 =	sand.u32 $0x1, s1  }
0x8c: {  	s16 =	sshll.u32 s0, $0xA;
	s2 =	sadd.s32 s3, s2  }
0x8d: {  	s2 =	sadd.s32 s2, s16  }
0x8e: {  	[smem:$0x3FB3] =	sst s2  }
0x8f: {  	_ = 	snop  }
0x90: {  	(tm) =	ssettm $0x1  }
0x91: {  	s17 =	sld [smem:$0x3FFB];
	_ =	sdelay $0x3  }
0x92: {  	_ =	strace s17  }
0x93: {  	s2 =	sld [smem:$0x3FFC];
	_ =	sdelay $0x3  }
0x94: {  	_ =	strace s2  }
0x95: {  	s2 =	sld [smem:$0x3FFD];
	_ =	sdelay $0x3  }
0x96: {  	_ =	strace s2  }
0x97: {  	_ =	strace $0x8FFFFFFF  }
0x98: {  	s18 =	sld [smem:$0x3FDB];
	_ =	sdelay $0x1  }
0x99: {  	s19 =	simm.s32 $_scs_section_size  }
0x9a: {  	s4 =	simm.s32 $_size__tile_overlayer_lowered;
	s5 =	simm.s32 $_tile_overlayer_lowered  }
0x9b: {  	s22 =	simm.s32 $0x1BFF;
	s21 =	sshll.u32 s5, $0x1;
	s2 =	sadd.s32 s19, s18  }
0x9c: {  	s6 =	simm.s32 $0x0;
	s20 =	sshll.u32 s4, $0x1;
	s4 =	sadd.s32 s21, s2  }
0x9d: {  	[timem:s6], [sflag:s22] =	dma.local [hbm:s4], s20  }
0x9e: {  	_ =	swait.ge [sflag:s22], s20  }
0x9f: {  	s3 =	ssub.s32 $0x0, s20;
	[sflag:s22] =	ssyncset.done $0x0  }
0xa0: {  	[sflag:s22] =	ssyncadd.s32 s3;
	_ =	sdelay $0x1  }
0xa1: {  	s23 =	simm.s32 $0x1B8B  }
0xa2: {  	_ =	swait.ge [sflag:s23], $0x1  }
0xa3: {  	[sflag:s23] =	ssyncset.done $0x0  }
0xa4: {  	s25 =	simm.s32 $0x1B8E;
	s24 =	sld [smem:$0x3FFE];
	[sflag:s23] =	ssyncadd.s32 $0xFFFFFFFF  }
0xa5: {  	s26 =	simm.s32 $execute0_lowered;
	[smem:$0x3FD2] =	sst s25  }
0xa6: {  	s4 =	sshll.u32 s26, $0x1;
	_ =	strace $0x80000050;
	[dreg:$0x1] =	wrdreg $0xFFFFFFFF  }
0xa7: {  	s28 =	simm.s32 $_size_execute0_lowered;
	s2 =	sadd.s32 s2, s4;
	[dreg:$0x0] =	wrdreg $0x0  }
0xa8: {  	s4 =	sshll.u32 s28, $0x1;
	[dreg:$0x2] =	wrdreg s2  }
0xa9: {  	[dreg:$0x3] =	wrdreg s4  }
0xaa: {  	[dreg:$0x4] =	wrdreg $0xC0  }
0xab: {  	_ =	task [dreg:s6], $0x5FFFF  }
0xac: {  	[dreg:$0x1] =	wrdreg $0xFFFFFFFF  }
0xad: {  	[dreg:$0x0] =	wrdreg $0x60  }
0xae: {  	[dreg:$0x2] =	wrdreg s24  }
0xaf: {  	[dreg:$0x3] =	wrdreg $0x9  }
0xb0: {  	_ =	task.clear_ibuf [dreg:s6], $0x4FFFF;
	_ =	strace $0x90000050  }
0xb1: {  	s29 =	simm.s32 $0x9;
	_ =	strace $0x80000059  }
0xb2: {  	_ =	swait.ge [sflag:s29], $0x1  }
0xb3: {  	[sflag:s29] =	ssyncadd.s32 $0xFFFFFFFF  }
0xb4: {  	_ =	strace $0x90000059  }
0xb5: {  	_ =	sfence  }
0xb6: {  	s30 =	sld [smem:$0x0];
	_ =	sdelay $0x2  }
0xb7: {  	s31 =	sshll.u32 s1, $0xD;
	s1 =	sshrl.u32 s1, $0x2  }
0xb8: {  	s3 =	sand.u32 $0x4000, s31;
	s1 =	sadd.s32 s1, s30  }
0xb9: {  	s0 =	sor.u32 s3, s0;
	s1 =	sshll.u32 s1, $0x11  }
0xba: {  	s0 =	sor.u32 s1, s0  }
0xbb: {  	s0 =	sadd.s32 $0x8F2B, s0  }
0xbc: {  	[sflag:s0] =	ssyncadd.remote.s32 $0x1  }
0xbd: {  	_ =	sfence.sel $0xFFFF  }
0xbe: {  	[dreg:$0x0] =	wrdreg $0xFFFFFFFF;
	(pc) =	sbr.abs _section_cstart, $3  }
0xbf: {  	[dreg:$0x1] =	wrdreg $0xFFFFFFFF  }
0xc0: {  	_ =	task.clear_ibuf [dreg:s6], $0x2FFFF;
	_ =	strace $0x9FFFFFFF  }
0xc1: {  	(tm) =	ssettm $0x7FFFFFFF  }
tec
execute0_lowered:
.L_overlay_start_1:
0x0: {  	(tag) =	ssettag $0x1  }
0x1: {  	s8 =	rddreg [dreg:$0x0]  }
0x2: {  	s0 =	rddreg [dreg:$0x1];
	s1 =	simm.s32 $0x0;
	s2 =	srdreg.scid  }
0x3: {  	s10 =	simm.s32 $0x5;
	s11 =	simm.s32 $0x4;
	s12 =	simm.s32 $0x0  }
0x4: {  	[smem:$0x7FF] =	sst s1;
	s3 =	sadd.s32 $0x4FA400, s8;
	s4 =	sadd.s32 $0x60000, s8  }
.Ltmp0:
0x5: {  	s5 =	sand.u32 $0x1, s2;
	s2 =	stileid.u32;
	(pc) =	sbr.rel .LBB2_1-.Ltmp0, $4  }
0x6: {  	_ =	strace $0x80000051;
	s6 =	ssub.s32 $0x2, s5;
	s7 =	sshll.u32 s5, $0x4  }
0x7: {  	v2 =	vlaneseq.u32;
	s5 =	sadd.s32 $0x60400, s8;
	s9 =	sshrl.u32 s6, $0x1;
	s7 =	sor.u32 s2, s7  }
0x8: {  	vm0 =	vmmov $0xffff;
	vm1 =	vmmov $0xff;
	v1 =	vshrl.u32 v2, $0x3;
	s9 =	ssub.s32 s6, s9;
	s6 =	sshll.u32 s7, $0x1;
	s7 =	sshll.u32 s7, $0x5  }
0x9: {  	v0 =	vand.u32 $0x7, v2;
	v2 =	vor.u32 $0x8, v2;
	s8 =	sadd.s32 $0x4FA500, s8;
	v1 =	vmul.u32 $0x8, v1;
	s7 =	sadd.s32 s4, s7;
	s9 =	smax.u32 s9, $0x1  }
.LBB2_4:
0xa: {  	s13 =	sand.u32 $0x1, s13  }
0xb: {  	_ =	strace $0x80000057;
	s13 =	sadd.s32 $0x3, s13  }
0xc: {  	_ =	swait.ge [sflag:s13], $0xC000  }
0xd: {  	[sflag:s13] =	ssyncset.done $0x0  }
0xe: {  	s12 =	sadd.s32 $0x1, s12;
	[sflag:s13] =	ssyncadd.s32 $0xFFFF4000  }
0xf: {  	p0 =	sne.s32 s12, s9;
	_ =	strace $0x90000057  }
.Ltmp1:
0x10: {  	_ =	strace $0x80000058;
	(pc) =	sbr.rel @!p0 .LBB2_5-.Ltmp1, $4  }
0x11: {  	_ =	swait.ge [sflag:s11], $0xC000  }
0x12: {  	[sflag:s11] =	ssyncset.done $0x0  }
0x13: {  	[sflag:s11] =	ssyncadd.s32 $0xFFFF4000  }
0x14: {  	_ =	strace $0x90000058  }
.LBB2_1:
0x15: {  	_ =	strace $0x80000052  }
0x16: {  	p0 =	por $0x1, $0x1;
	p2 =	por $0x0, $0x0;
	s14 =	simm.s32 $0x0  }
0x17: {  	s13 =	simm.s32 $0x0;
	s18 =	simm.s32 $0x0;
	s15 =	simm.s32 $0x0  }
0x18: {  	[tilespmem:s1], [sflag:$0x1] =	stream.linear.gather [hbm4b:s7+s1], $0x80, $0x200038;
	[tilespmem:$0x18100] =	vst v63  }
0x19: {  	s16 =	simm.s32 $0x1;
	s17 =	simm.s32 $0x0;
	_ =	strace $0x90000052  }
.LBB2_2:
0x1a: {  	s19 =	smov.u32 s14;
	s14 =	sadd.s32 $0x1, s14  }
0x1b: {  	p1 =	seq.s32 s14, $0x2  }
0x1c: {  	s14 =	simm.s32 @p1 $0x0  }
0x1d: {  	p1 =	sne.s32 s19, s14  }
0x1e: {  	p1 =	por !p0, !p1  }
0x1f: {  	p1 =	por !p1, !p1  }
0x20: {  	s20 =	sadd.s32 @p1 s6, s14  }
0x21: {  	s21 =	sand.u32 @p1 $0x1, s16;
	s20 =	sshll.u32 @p1 s20, $0x4  }
0x22: {  	_ =	strace @p1 $0x80000053;
	s23 =	simm.s32 @p1 $0x0;
	s20 =	sand.u32 @p1 $0x1FFFFFF0, s20  }
0x23: {  	s22 =	sshll.u32 @p1 s21, $0x7;
	s21 =	sadd.s32 @p1 $0x1, s21;
	s20 =	sadd.s32 @p1 s4, s20  }
0x24: {  	[tilespmem:s22], [sflag:s21] =	stream.linear.gather @p1 [hbm4b:s20+s23], $0x80, $0x200038;
	[tilespmem:$0x18100] =	vst v63  }
0x25: {  	s23 =	sand.u32 $0x1, s15;
	_ =	strace @p1 $0x90000053  }
0x26: {  	s20 =	sadd.s32 $0x1, s23;
	_ =	strace $0x80000054  }
0x27: {  	_ =	swait.ge [sflag:s20], $0x80  }
0x28: {  	[sflag:s20] =	ssyncset.done $0x0  }
0x29: {  	[sflag:s20] =	ssyncadd.s32 $0xFFFFFF80  }
0x2a: {  	s24 =	sshll.u32 s15, $0x7;
	_ =	strace $0x90000054  }
0x2b: {  	s23 =	sand.u32 $0x80, s24;
	_ =	strace $0x80000055  }
0x2c: {  	v3 =	vld [tilespmem:s23+$0x0];
	_ =	sdelay $0x4  }
0x2d: {  	v4 =	vshrl.u32 v3, $0x3  }
0x2e: {  	v4 =	vmul.u32 $0x18, v4  }
0x2f: {  	v3 =	vand.u32 $0x7, v3  }
0x30: {  	v3 =	vor.u32 v3, v4  }
0x31: {  	v4 =	vperm.xlane v3, v0;
	_ =	sdelay $0x1  }
0x32: {  	s20 =	sand.u32 $0x1, s18;
	v4 =	vadd.s32 v1, v4  }
0x33: {  	s25 =	smul.u32 $0x30000, s20  }
0x34: {  	v3 =	vperm.xlane v3, v2  }
0x35: {  	s22 =	sshrl.u32 s25, $0x2  }
0x36: {  	s21 =	sor.u32 $0x100, s22;
	v3 =	vadd.s32 v1, v3  }
0x37: {  	[tilespmem:s21], [sflag:$0x5] =	stream.indirect_vreg.gather [hbm4b:s3+s1], $0x80, v4, vm0, $0x2000b8;
	[tilespmem:$0x18100] =	vst v63  }
0x38: {  	s24 =	sor.u32 $0x900, s22  }
0x39: {  	[tilespmem:s24], [sflag:$0x5] =	stream.indirect_vreg.gather [hbm4b:s8+s1], $0x80, v4, vm1, $0x2000b8;
	[tilespmem:$0x18100] =	vst v63  }
0x3a: {  	s26 =	sor.u32 $0xD00, s22  }
0x3b: {  	[tilespmem:s26], [sflag:$0x5] =	stream.indirect_vreg.gather [hbm4b:s3+s1], $0x80, v3, vm0, $0x2000b8;
	[tilespmem:$0x18100] =	vst v63  }
0x3c: {  	s28 =	sor.u32 $0x1500, s22  }
0x3d: {  	[tilespmem:s28], [sflag:$0x5] =	stream.indirect_vreg.gather [hbm4b:s8+s1], $0x80, v3, vm1, $0x2000b8;
	[tilespmem:$0x18100] =	vst v63  }
0x3e: {  	v3 =	vld [tilespmem:s23+$0x10];
	_ =	sdelay $0x4  }
0x3f: {  	v57 =	vshrl.u32 v3, $0x3  }
0x40: {  	v4 =	vmul.u32 $0x18, v57  }
0x41: {  	v3 =	vand.u32 $0x7, v3  }
0x42: {  	v3 =	vor.u32 v3, v4  }
0x43: {  	v4 =	vperm.xlane v3, v0;
	_ =	sdelay $0x1  }
0x44: {  	v4 =	vadd.s32 v1, v4;
	_ =	sdelay $0x1  }
0x45: {  	v3 =	vperm.xlane v3, v2;
	_ =	sdelay $0x1  }
0x46: {  	s29 =	sor.u32 $0x1900, s22;
	v3 =	vadd.s32 v1, v3  }
0x47: {  	[tilespmem:s29], [sflag:$0x5] =	stream.indirect_vreg.gather [hbm4b:s3+s1], $0x80, v4, vm0, $0x2000b8;
	[tilespmem:$0x18100] =	vst v63  }
0x48: {  	s30 =	sor.u32 $0x2100, s22  }
0x49: {  	[tilespmem:s30], [sflag:$0x5] =	stream.indirect_vreg.gather [hbm4b:s8+s1], $0x80, v4, vm1, $0x2000b8;
	[tilespmem:$0x18100] =	vst v63  }
0x4a: {  	s31 =	sor.u32 $0x2500, s22  }
0x4b: {  	[tilespmem:s31], [sflag:$0x5] =	stream.indirect_vreg.gather [hbm4b:s3+s1], $0x80, v3, vm0, $0x2000b8;
	[tilespmem:$0x18100] =	vst v63  }
0x4c: {  	s25 =	sor.u32 $0x2D00, s22  }
0x4d: {  	[tilespmem:s25], [sflag:$0x5] =	stream.indirect_vreg.gather [hbm4b:s8+s1], $0x80, v3, vm1, $0x2000b8;
	[tilespmem:$0x18100] =	vst v63  }
0x4e: {  	v3 =	vld [tilespmem:s23+$0x20];
	_ =	sdelay $0x4  }
0x4f: {  	v58 =	vshrl.u32 v3, $0x3  }
0x50: {  	v4 =	vmul.u32 $0x18, v58  }
0x51: {  	v3 =	vand.u32 $0x7, v3  }
0x52: {  	v3 =	vor.u32 v3, v4  }
0x53: {  	v4 =	vperm.xlane v3, v0;
	_ =	sdelay $0x1  }
0x54: {  	v4 =	vadd.s32 v1, v4;
	_ =	sdelay $0x1  }
0x55: {  	v3 =	vperm.xlane v3, v2;
	_ =	sdelay $0x1  }
0x56: {  	s26 =	sor.u32 $0x3100, s22;
	v3 =	vadd.s32 v1, v3  }
0x57: {  	[tilespmem:s26], [sflag:$0x5] =	stream.indirect_vreg.gather [hbm4b:s3+s1], $0x80, v4, vm0, $0x2000b8;
	[tilespmem:$0x18100] =	vst v63  }
0x58: {  	s28 =	sor.u32 $0x3900, s22  }
0x59: {  	[tilespmem:s28], [sflag:$0x5] =	stream.indirect_vreg.gather [hbm4b:s8+s1], $0x80, v4, vm1, $0x2000b8;
	[tilespmem:$0x18100] =	vst v63  }
0x5a: {  	s29 =	sor.u32 $0x3D00, s22  }
0x5b: {  	[tilespmem:s29], [sflag:$0x5] =	stream.indirect_vreg.gather [hbm4b:s3+s1], $0x80, v3, vm0, $0x2000b8;
	[tilespmem:$0x18100] =	vst v63  }
0x5c: {  	s30 =	sadd.s32 $0x4500, s22  }
0x5d: {  	[tilespmem:s30], [sflag:$0x5] =	stream.indirect_vreg.gather [hbm4b:s8+s1], $0x80, v3, vm1, $0x2000b8;
	[tilespmem:$0x18100] =	vst v63  }
0x5e: {  	v3 =	vld [tilespmem:s23+$0x30];
	_ =	sdelay $0x4  }
0x5f: {  	v59 =	vshrl.u32 v3, $0x3  }
0x60: {  	v4 =	vmul.u32 $0x18, v59  }
0x61: {  	v3 =	vand.u32 $0x7, v3  }
0x62: {  	v3 =	vor.u32 v3, v4  }
0x63: {  	v4 =	vperm.xlane v3, v0;
	_ =	sdelay $0x1  }
0x64: {  	v4 =	vadd.s32 v1, v4;
	_ =	sdelay $0x1  }
0x65: {  	v3 =	vperm.xlane v3, v2;
	_ =	sdelay $0x1  }
0x66: {  	s31 =	sadd.s32 $0x4900, s22;
	v3 =	vadd.s32 v1, v3  }
0x67: {  	[tilespmem:s31], [sflag:$0x5] =	stream.indirect_vreg.gather [hbm4b:s3+s1], $0x80, v4, vm0, $0x2000b8;
	[tilespmem:$0x18100] =	vst v63  }
0x68: {  	s25 =	sadd.s32 $0x5100, s22  }
0x69: {  	[tilespmem:s25], [sflag:$0x5] =	stream.indirect_vreg.gather [hbm4b:s8+s1], $0x80, v4, vm1, $0x2000b8;
	[tilespmem:$0x18100] =	vst v63  }
0x6a: {  	s26 =	sadd.s32 $0x5500, s22  }
0x6b: {  	[tilespmem:s26], [sflag:$0x5] =	stream.indirect_vreg.gather [hbm4b:s3+s1], $0x80, v3, vm0, $0x2000b8;
	[tilespmem:$0x18100] =	vst v63  }
0x6c: {  	s28 =	sadd.s32 $0x5D00, s22  }
0x6d: {  	[tilespmem:s28], [sflag:$0x5] =	stream.indirect_vreg.gather [hbm4b:s8+s1], $0x80, v3, vm1, $0x2000b8;
	[tilespmem:$0x18100] =	vst v63  }
0x6e: {  	v3 =	vld [tilespmem:s23+$0x40];
	_ =	sdelay $0x4  }
0x6f: {  	v60 =	vshrl.u32 v3, $0x3  }
0x70: {  	v4 =	vmul.u32 $0x18, v60  }
0x71: {  	v3 =	vand.u32 $0x7, v3  }
0x72: {  	v3 =	vor.u32 v3, v4  }
0x73: {  	v4 =	vperm.xlane v3, v0;
	_ =	sdelay $0x1  }
0x74: {  	v4 =	vadd.s32 v1, v4;
	_ =	sdelay $0x1  }
0x75: {  	v3 =	vperm.xlane v3, v2;
	_ =	sdelay $0x1  }
0x76: {  	s29 =	sadd.s32 $0x6100, s22;
	v3 =	vadd.s32 v1, v3  }
0x77: {  	[tilespmem:s29], [sflag:$0x5] =	stream.indirect_vreg.gather [hbm4b:s3+s1], $0x80, v4, vm0, $0x2000b8;
	[tilespmem:$0x18100] =	vst v63  }
0x78: {  	s30 =	sadd.s32 $0x6900, s22  }
0x79: {  	[tilespmem:s30], [sflag:$0x5] =	stream.indirect_vreg.gather [hbm4b:s8+s1], $0x80, v4, vm1, $0x2000b8;
	[tilespmem:$0x18100] =	vst v63  }
0x7a: {  	s31 =	sadd.s32 $0x6D00, s22  }
0x7b: {  	[tilespmem:s31], [sflag:$0x5] =	stream.indirect_vreg.gather [hbm4b:s3+s1], $0x80, v3, vm0, $0x2000b8;
	[tilespmem:$0x18100] =	vst v63  }
0x7c: {  	s25 =	sadd.s32 $0x7500, s22  }
0x7d: {  	[tilespmem:s25], [sflag:$0x5] =	stream.indirect_vreg.gather [hbm4b:s8+s1], $0x80, v3, vm1, $0x2000b8;
	[tilespmem:$0x18100] =	vst v63  }
0x7e: {  	v3 =	vld [tilespmem:s23+$0x50];
	_ =	sdelay $0x4  }
0x7f: {  	v61 =	vshrl.u32 v3, $0x3  }
0x80: {  	v4 =	vmul.u32 $0x18, v61  }
0x81: {  	v3 =	vand.u32 $0x7, v3  }
0x82: {  	v3 =	vor.u32 v3, v4  }
0x83: {  	v4 =	vperm.xlane v3, v0;
	_ =	sdelay $0x1  }
0x84: {  	v4 =	vadd.s32 v1, v4;
	_ =	sdelay $0x1  }
0x85: {  	v3 =	vperm.xlane v3, v2;
	_ =	sdelay $0x1  }
0x86: {  	s26 =	sadd.s32 $0x7900, s22;
	v3 =	vadd.s32 v1, v3  }
0x87: {  	[tilespmem:s26], [sflag:$0x5] =	stream.indirect_vreg.gather [hbm4b:s3+s1], $0x80, v4, vm0, $0x2000b8;
	[tilespmem:$0x18100] =	vst v63  }
0x88: {  	s28 =	sadd.s32 $0x8100, s22  }
0x89: {  	[tilespmem:s28], [sflag:$0x5] =	stream.indirect_vreg.gather [hbm4b:s8+s1], $0x80, v4, vm1, $0x2000b8;
	[tilespmem:$0x18100] =	vst v63  }
0x8a: {  	s29 =	sadd.s32 $0x8500, s22  }
0x8b: {  	[tilespmem:s29], [sflag:$0x5] =	stream.indirect_vreg.gather [hbm4b:s3+s1], $0x80, v3, vm0, $0x2000b8;
	[tilespmem:$0x18100] =	vst v63  }
0x8c: {  	s30 =	sadd.s32 $0x8D00, s22  }
0x8d: {  	[tilespmem:s30], [sflag:$0x5] =	stream.indirect_vreg.gather [hbm4b:s8+s1], $0x80, v3, vm1, $0x2000b8;
	[tilespmem:$0x18100] =	vst v63  }
0x8e: {  	v3 =	vld [tilespmem:s23+$0x60];
	_ =	sdelay $0x4  }
0x8f: {  	v62 =	vshrl.u32 v3, $0x3  }
0x90: {  	v4 =	vmul.u32 $0x18, v62  }
0x91: {  	v3 =	vand.u32 $0x7, v3  }
0x92: {  	v3 =	vor.u32 v3, v4  }
0x93: {  	v4 =	vperm.xlane v3, v0;
	_ =	sdelay $0x1  }
0x94: {  	v4 =	vadd.s32 v1, v4;
	_ =	sdelay $0x1  }
0x95: {  	v3 =	vperm.xlane v3, v2;
	_ =	sdelay $0x1  }
0x96: {  	s31 =	sadd.s32 $0x9100, s22;
	v3 =	vadd.s32 v1, v3  }
0x97: {  	[tilespmem:s31], [sflag:$0x5] =	stream.indirect_vreg.gather [hbm4b:s3+s1], $0x80, v4, vm0, $0x2000b8;
	[tilespmem:$0x18100] =	vst v63  }
0x98: {  	s25 =	sadd.s32 $0x9900, s22  }
0x99: {  	[tilespmem:s25], [sflag:$0x5] =	stream.indirect_vreg.gather [hbm4b:s8+s1], $0x80, v4, vm1, $0x2000b8;
	[tilespmem:$0x18100] =	vst v63  }
0x9a: {  	s26 =	sadd.s32 $0x9D00, s22  }
0x9b: {  	[tilespmem:s26], [sflag:$0x5] =	stream.indirect_vreg.gather [hbm4b:s3+s1], $0x80, v3, vm0, $0x2000b8;
	[tilespmem:$0x18100] =	vst v63  }
0x9c: {  	s28 =	sadd.s32 $0xA500, s22  }
0x9d: {  	[tilespmem:s28], [sflag:$0x5] =	stream.indirect_vreg.gather [hbm4b:s8+s1], $0x80, v3, vm1, $0x2000b8;
	[tilespmem:$0x18100] =	vst v63  }
0x9e: {  	v3 =	vld [tilespmem:s23+$0x70];
	_ =	sdelay $0x4  }
0x9f: {  	v63 =	vshrl.u32 v3, $0x3  }
0xa0: {  	v4 =	vmul.u32 $0x18, v63  }
0xa1: {  	v3 =	vand.u32 $0x7, v3  }
0xa2: {  	v3 =	vor.u32 v3, v4  }
0xa3: {  	v4 =	vperm.xlane v3, v0;
	_ =	sdelay $0x1  }
0xa4: {  	v4 =	vadd.s32 v1, v4;
	_ =	sdelay $0x1  }
0xa5: {  	v3 =	vperm.xlane v3, v2;
	_ =	sdelay $0x1  }
0xa6: {  	s29 =	sadd.s32 $0xA900, s22;
	v3 =	vadd.s32 v1, v3  }
0xa7: {  	[tilespmem:s29], [sflag:$0x5] =	stream.indirect_vreg.gather [hbm4b:s3+s1], $0x80, v4, vm0, $0x2000b8;
	[tilespmem:$0x18100] =	vst v63  }
0xa8: {  	s30 =	sadd.s32 $0xB100, s22  }
0xa9: {  	[tilespmem:s30], [sflag:$0x5] =	stream.indirect_vreg.gather [hbm4b:s8+s1], $0x80, v4, vm1, $0x2000b8;
	[tilespmem:$0x18100] =	vst v63  }
0xaa: {  	p2 =	por !p2, !p2;
	p3 =	seq.s32 s19, s14;
	s31 =	sadd.s32 $0xB500, s22  }
0xab: {  	[tilespmem:s31], [sflag:$0x5] =	stream.indirect_vreg.gather [hbm4b:s3+s1], $0x80, v3, vm0, $0x2000b8;
	[tilespmem:$0x18100] =	vst v63  }
0xac: {  	p2 =	por !p2, !p3;
	s22 =	sadd.s32 $0xBD00, s22  }
0xad: {  	[tilespmem:s22], [sflag:$0x5] =	stream.indirect_vreg.gather [hbm4b:s8+s1], $0x80, v3, vm1, $0x2000b8;
	[tilespmem:$0x18100] =	vst v63  }
0xae: {  	s19 =	sadd.s32 s6, s19;
	p2 =	por !p2, !p2;
	_ =	swait.ge [sflag:s10], $0xC000  }
0xaf: {  	s19 =	smul.u32 @!p2 $0x1800, s19;
	p0 =	por p2, p0;
	[sflag:s10] =	ssyncset.done $0x0  }
.Ltmp2:
0xb0: {  	[sflag:s10] =	ssyncadd.s32 $0xFFFF4000;
	(pc) =	sbr.rel @!p0 .LBB2_4-.Ltmp2, $4  }
0xb1: {  	s19 =	sadd.s32 @!p2 s5, s19;
	_ =	strace $0x90000055  }
0xb2: {  	s20 =	sadd.s32 @!p2 $0x3, s20;
	s22 =	simm.s32 @!p2 $0x0;
	_ =	strace @!p2 $0x80000056  }
0xb3: {  	[hbm4b:s19+s22] =	stream.linear.scatter @!p2 [tilespmem:s21], [sflag:s20], $0xC000, $0x200038;
	[tilespmem:$0x18100] =	vst v63  }
0xb4: {  	_ =	strace @!p2 $0x90000056  }
.Ltmp3:
0xb5: {  	s19 =	simm.s32 $0x1;
	(pc) =	sbr.rel .LBB2_2-.Ltmp3, $4  }
0xb6: {  	s20 =	simm.s32 @!p2 $0x1;
	s13 =	sadd.s32 s17, s13;
	s19 =	simm.s32 @!p1 $0x0  }
0xb7: {  	s17 =	simm.s32 $0x1;
	s16 =	sadd.s32 s19, s16;
	s19 =	sadd.s32 @!p2 $0x1, s18  }
0xb8: {  	p0 =	por $0x0, $0x0;
	s20 =	simm.s32 @p2 $0x0;
	s19 =	smov.u32 @p2 s18  }
0xb9: {  	s15 =	sadd.s32 s15, s20;
	p2 =	por $0x1, $0x1;
	s18 =	smov.u32 s19  }
.LBB2_5:
0xba: {  	_ =	sfence.sel $0x180000  }
0xbb: {  	[bflag:$0x0] =	sbarrier.arrive $0xFFFF  }
0xbc: {  	p0 =	sne.s32 s2, $0x0;
	_ =	strace $0x90000051  }
0xbd: {  	s0 =	sadd.s32 @!p0 $0x100000, s0;
	[bflag:$0x2] =	sbarrier.arrive $0xFFFF  }
0xbe: {  	[sflag:s0] =	ssyncadd.tile.s32 @!p0 $0x1;
	_ =	shalt  }
.Lfunc_end2:
_tile_overlayer_lowered:
.L_overlay_start_2:
0xbf: {  	(tag) =	ssettag $0x2  }
0xc0: {  	s0 =	rddreg [dreg:$0x0];
	s2 =	stileid.u32  }
0xc1: {  	s1 =	rddreg [dreg:$0x1];
	p0 =	sne.s32 s2, $0x0  }
0xc2: {  	s3 =	rddreg [dreg:$0x2];
	[bflag:$0x3] =	sbarrier.arrive $0xFFFF;
	s2 =	simm.s32 @!p0 $0x1C01  }
0xc3: {  	[timem:s3], [sflag:s2] =	dma.local @!p0 [hbm:s0], s1  }
0xc4: {  	s0 =	simm.s32 @!p0 $0x1  }
0xc5: {  	_ =	swait.ge @!p0 [sflag:s0], s1  }
0xc6: {  	s1 =	ssub.s32 @!p0 $0x0, s1;
	[sflag:s0] =	ssyncset.done @!p0 $0x0  }
0xc7: {  	[sflag:s0] =	ssyncadd.s32 @!p0 s1  }
0xc8: {  	[bflag:$0x3] =	sbarrier.arrive $0xFFFF  }
0xc9: {  	_ =	shalt  }

</sc_bundles>
